<compile_context>
chip_gen: v7x
topology: tpu7x:2x2x1
jax: 0.10.2.dev20260603
libtpu: 0.0.44.dev20260713+nightly
codegen_flags: <defaults>
</compile_context>

<pallas_src>
import functools

import jax
import jax.numpy as jnp
from jax import lax
from jax.experimental import pallas as pl
from jax.experimental.pallas import tpu as pltpu
from jax.experimental.pallas import tpu_sc as plsc


_NC = 2
_NS = 16
_NW = _NC * _NS
_ES = 256


def _sc_transpose(table):
    l_dim, e_dim = table.shape
    lc = l_dim // _NW
    mesh = plsc.VectorSubcoreMesh(core_axis_name="c", subcore_axis_name="s")

    @functools.partial(
        pl.kernel,
        mesh=mesh,
        out_type=jax.ShapeDtypeStruct((e_dim, l_dim), table.dtype),
        scratch_types=[
            pltpu.VMEM((lc, _ES), jnp.float32),
            pltpu.VMEM((_ES, lc), jnp.float32),
        ],
        compiler_params=pltpu.CompilerParams(
            needs_layout_passes=False,
        ),
    )
    def k(table_hbm, tt_hbm, in_v, out_v):
        wid = lax.axis_index("s") * _NC + lax.axis_index("c")
        l0 = wid * lc
        iota = lax.iota(jnp.int32, 16)
        for eb in range(e_dim // _ES):
            e0 = eb * _ES
            pltpu.sync_copy(table_hbm.at[pl.ds(l0, lc), pl.ds(e0, _ES)], in_v)

            @plsc.parallel_loop(0, _ES, unroll=4)
            def _(e):
                e_vec = jnp.broadcast_to(e, (16,)).astype(jnp.int32)
                for j in range(lc // 16):
                    l_idx = iota + (j * 16)
                    v = plsc.load_gather(in_v, [l_idx, e_vec])
                    out_v[e, pl.ds(j * 16, 16)] = v
            pltpu.sync_copy(out_v, tt_hbm.at[pl.ds(e0, _ES), pl.ds(l0, lc)])

    return k(table)


_EB = 128


def _tc_add_body(x_ref, tt_ref, o_ref):
    o_ref[...] = x_ref[...] + tt_ref[...][None, :, :]


def _tc_add(x, tt):
    b, e, l = x.shape
    return pl.pallas_call(
        _tc_add_body,
        grid=(e // _EB,),
        in_specs=[
            pl.BlockSpec((b, _EB, l), lambda ei: (0, ei, 0)),
            pl.BlockSpec((_EB, l), lambda ei: (ei, 0)),
        ],
        out_specs=pl.BlockSpec((b, _EB, l), lambda ei: (0, ei, 0)),
        out_shape=jax.ShapeDtypeStruct(x.shape, x.dtype),
    )(x, tt)


def kernel(x, table):
    return _tc_add(x, _sc_transpose(table))

# --- scband reference (transcript-rebuilt; emitter-appended) ---
"""Pipeline reference for scband-learnable-positional-encoding-22505628631804 (READ-ONLY COPY).

The authoritative reference and input builder live on the scoring server;
editing this copy changes nothing except your own understanding.
"""

import jax, jax.numpy as jnp
import numpy as np

MAX_LEN = 4096
EMBED_SIZE = 1024
B = 4
SEQ_LEN = 4096

def setup_inputs(seed: int = 0) -> dict:
    key = jax.random.key(seed)
    k1, k2 = jax.random.split(key)
    x = jax.random.normal(k1, (B, EMBED_SIZE, SEQ_LEN), dtype=jnp.float32)
    # learned position embedding table, matching torch.nn.Embedding default init N(0,1)
    table = jax.random.normal(k2, (MAX_LEN, EMBED_SIZE), dtype=jnp.float32)
    return {"x": x, "table": table}

def reference(x, table):
    seq_len = x.shape[2]
    positions = jnp.arange(seq_len)[None, :]                 # [1, L]
    pos_emb = jnp.take(table, positions, axis=0)             # [1, L, E] (embedding lookup)
    pos_emb = jnp.transpose(pos_emb, (0, 2, 1))              # [1, E, L]
    return x + pos_emb

if __name__ == "__main__":
    import jax
    _d = setup_inputs()
    print(jax.jit(kernel)(*tuple(_d.values())))

</pallas_src>

<mosaic_0001>
#map = affine_map<(d0, d1) -> (0, 0)>
module attributes {stable_mosaic.version = 14 : i64} {
  func.func @k(%arg0: i32, %arg1: i32, %arg2: memref<4096x1024xf32, #tpu.memory_space<hbm>>, %arg3: memref<1024x4096xf32, #tpu.memory_space<hbm>>, %arg4: memref<128x256xf32, #tpu.memory_space<vmem>>, %arg5: memref<256x128xf32, #tpu.memory_space<vmem>>) attributes {dimension_semantics = [#tpu.dimension_semantics<core_parallel>, #tpu.dimension_semantics<subcore_parallel>], iteration_bounds = array<i64: 2, 16>, scalar_prefetch = 0 : i64, scratch_operands = 2 : i64, tpu.core_type = #tpu.core_type<sc_vector_subcore>, window_params = [{transform_indices = #map}, {transform_indices = #map}]} {
    %mul3A = arith.constant 2 : i32
    %mul3A_0 = arith.muli %arg1, %mul3A : i32
    %add3A = arith.addi %mul3A_0, %arg0 : i32
    %mul3A_1 = arith.constant 128 : i32
    %mul3A_2 = arith.muli %add3A, %mul3A_1 : i32
    %iota3A = tpu.iota {dimensions = array<i32: 0>} : vector<16xi32>
    "tpu.region"() ({
      %run_scoped3A = tpu.sem_alloc : memref<!tpu.dma_semaphore, #tpu.memory_space<semaphore_mem>>
      %dma_start3A = arith.constant 0 : i32
      %dma_start3A_14 = tpu.memref_slice %arg2[%mul3A_2, %dma_start3A] : memref<4096x1024xf32, #tpu.memory_space<hbm>> -> memref<128x256xf32, #tpu.memory_space<hbm>>
      %dma_start3A_15 = arith.constant 0 : i32
      %dma_start3A_16 = tpu.memref_slice %arg2[%mul3A_2, %dma_start3A_15] : memref<4096x1024xf32, #tpu.memory_space<hbm>> -> memref<128x256xf32, #tpu.memory_space<hbm>>
      tpu.enqueue_dma source(%dma_start3A_16 : memref<128x256xf32, #tpu.memory_space<hbm>>) target(%arg4 : memref<128x256xf32, #tpu.memory_space<vmem>>) target_semaphore(%run_scoped3A : memref<!tpu.dma_semaphore, #tpu.memory_space<semaphore_mem>>)
      %dma_wait3A = arith.constant 0 : i32
      %dma_wait3A_17 = tpu.memref_slice %arg2[%mul3A_2, %dma_wait3A] : memref<4096x1024xf32, #tpu.memory_space<hbm>> -> memref<128x256xf32, #tpu.memory_space<hbm>>
      %dma_wait3A_18 = arith.constant 0 : i32
      %dma_wait3A_19 = tpu.memref_slice %arg2[%mul3A_2, %dma_wait3A_18] : memref<4096x1024xf32, #tpu.memory_space<hbm>> -> memref<128x256xf32, #tpu.memory_space<hbm>>
      tpu.wait_dma2 semaphore(%run_scoped3A : memref<!tpu.dma_semaphore, #tpu.memory_space<semaphore_mem>>) src(%dma_wait3A_19 : memref<128x256xf32, #tpu.memory_space<hbm>>) dst(%arg4 : memref<128x256xf32, #tpu.memory_space<vmem>>)
      tpu.yield
    }) : () -> ()
    %parallel_loop3A = arith.constant 0 : i32
    %parallel_loop3A_3 = arith.constant 256 : i32
    %parallel_loop3A_4 = arith.constant 1 : i32
    scf.for %parallel_loop3A_14 = %parallel_loop3A to %parallel_loop3A_3 step %parallel_loop3A_4  : i32 {
      %parallel_loop3A_15 = vector.broadcast %parallel_loop3A_14 : i32 to vector<16xi32>
      %parallel_loop3A_16 = arith.constant 0 : i32
      %parallel_loop3A_17 = vector.broadcast %parallel_loop3A_16 : i32 to vector<16xi32>
      %parallel_loop3A_18 = arith.addi %iota3A, %parallel_loop3A_17 : vector<16xi32>
      %parallel_loop3A_19 = tpu.vector_load_idx %arg4[%parallel_loop3A_18, %parallel_loop3A_15] : memref<128x256xf32, #tpu.memory_space<vmem>>[vector<16xi32>, vector<16xi32>], vector<16xf32>,
      %parallel_loop3A_20 = arith.index_cast %parallel_loop3A_14 : i32 to index
      %parallel_loop3A_21 = arith.constant 0 : index
      %parallel_loop3A_22 = tpu.vector_load %arg5[%parallel_loop3A_20, %parallel_loop3A_21] {strides = array<i32>} : memref<256x128xf32, #tpu.memory_space<vmem>>, vector<16xf32>,
      tpu.vector_store %arg5[%parallel_loop3A_20, %parallel_loop3A_21], %parallel_loop3A_19 {strides = array<i32>} : memref<256x128xf32, #tpu.memory_space<vmem>>, vector<16xf32>,
      %parallel_loop3A_23 = arith.constant 16 : i32
      %parallel_loop3A_24 = vector.broadcast %parallel_loop3A_23 : i32 to vector<16xi32>
      %parallel_loop3A_25 = arith.addi %iota3A, %parallel_loop3A_24 : vector<16xi32>
      %parallel_loop3A_26 = tpu.vector_load_idx %arg4[%parallel_loop3A_25, %parallel_loop3A_15] : memref<128x256xf32, #tpu.memory_space<vmem>>[vector<16xi32>, vector<16xi32>], vector<16xf32>,
      %parallel_loop3A_27 = arith.index_cast %parallel_loop3A_14 : i32 to index
      %parallel_loop3A_28 = arith.constant 16 : index
      %parallel_loop3A_29 = tpu.vector_load %arg5[%parallel_loop3A_27, %parallel_loop3A_28] {strides = array<i32>} : memref<256x128xf32, #tpu.memory_space<vmem>>, vector<16xf32>,
      tpu.vector_store %arg5[%parallel_loop3A_27, %parallel_loop3A_28], %parallel_loop3A_26 {strides = array<i32>} : memref<256x128xf32, #tpu.memory_space<vmem>>, vector<16xf32>,
      %parallel_loop3A_30 = arith.constant 32 : i32
      %parallel_loop3A_31 = vector.broadcast %parallel_loop3A_30 : i32 to vector<16xi32>
      %parallel_loop3A_32 = arith.addi %iota3A, %parallel_loop3A_31 : vector<16xi32>
      %parallel_loop3A_33 = tpu.vector_load_idx %arg4[%parallel_loop3A_32, %parallel_loop3A_15] : memref<128x256xf32, #tpu.memory_space<vmem>>[vector<16xi32>, vector<16xi32>], vector<16xf32>,
      %parallel_loop3A_34 = arith.index_cast %parallel_loop3A_14 : i32 to index
      %parallel_loop3A_35 = arith.constant 32 : index
      %parallel_loop3A_36 = tpu.vector_load %arg5[%parallel_loop3A_34, %parallel_loop3A_35] {strides = array<i32>} : memref<256x128xf32, #tpu.memory_space<vmem>>, vector<16xf32>,
      tpu.vector_store %arg5[%parallel_loop3A_34, %parallel_loop3A_35], %parallel_loop3A_33 {strides = array<i32>} : memref<256x128xf32, #tpu.memory_space<vmem>>, vector<16xf32>,
      %parallel_loop3A_37 = arith.constant 48 : i32
      %parallel_loop3A_38 = vector.broadcast %parallel_loop3A_37 : i32 to vector<16xi32>
      %parallel_loop3A_39 = arith.addi %iota3A, %parallel_loop3A_38 : vector<16xi32>
      %parallel_loop3A_40 = tpu.vector_load_idx %arg4[%parallel_loop3A_39, %parallel_loop3A_15] : memref<128x256xf32, #tpu.memory_space<vmem>>[vector<16xi32>, vector<16xi32>], vector<16xf32>,
      %parallel_loop3A_41 = arith.index_cast %parallel_loop3A_14 : i32 to index
      %parallel_loop3A_42 = arith.constant 48 : index
      %parallel_loop3A_43 = tpu.vector_load %arg5[%parallel_loop3A_41, %parallel_loop3A_42] {strides = array<i32>} : memref<256x128xf32, #tpu.memory_space<vmem>>, vector<16xf32>,
      tpu.vector_store %arg5[%parallel_loop3A_41, %parallel_loop3A_42], %parallel_loop3A_40 {strides = array<i32>} : memref<256x128xf32, #tpu.memory_space<vmem>>, vector<16xf32>,
      %parallel_loop3A_44 = arith.constant 64 : i32
      %parallel_loop3A_45 = vector.broadcast %parallel_loop3A_44 : i32 to vector<16xi32>
      %parallel_loop3A_46 = arith.addi %iota3A, %parallel_loop3A_45 : vector<16xi32>
      %parallel_loop3A_47 = tpu.vector_load_idx %arg4[%parallel_loop3A_46, %parallel_loop3A_15] : memref<128x256xf32, #tpu.memory_space<vmem>>[vector<16xi32>, vector<16xi32>], vector<16xf32>,
      %parallel_loop3A_48 = arith.index_cast %parallel_loop3A_14 : i32 to index
      %parallel_loop3A_49 = arith.constant 64 : index
      %parallel_loop3A_50 = tpu.vector_load %arg5[%parallel_loop3A_48, %parallel_loop3A_49] {strides = array<i32>} : memref<256x128xf32, #tpu.memory_space<vmem>>, vector<16xf32>,
      tpu.vector_store %arg5[%parallel_loop3A_48, %parallel_loop3A_49], %parallel_loop3A_47 {strides = array<i32>} : memref<256x128xf32, #tpu.memory_space<vmem>>, vector<16xf32>,
      %parallel_loop3A_51 = arith.constant 80 : i32
      %parallel_loop3A_52 = vector.broadcast %parallel_loop3A_51 : i32 to vector<16xi32>
      %parallel_loop3A_53 = arith.addi %iota3A, %parallel_loop3A_52 : vector<16xi32>
      %parallel_loop3A_54 = tpu.vector_load_idx %arg4[%parallel_loop3A_53, %parallel_loop3A_15] : memref<128x256xf32, #tpu.memory_space<vmem>>[vector<16xi32>, vector<16xi32>], vector<16xf32>,
      %parallel_loop3A_55 = arith.index_cast %parallel_loop3A_14 : i32 to index
      %parallel_loop3A_56 = arith.constant 80 : index
      %parallel_loop3A_57 = tpu.vector_load %arg5[%parallel_loop3A_55, %parallel_loop3A_56] {strides = array<i32>} : memref<256x128xf32, #tpu.memory_space<vmem>>, vector<16xf32>,
      tpu.vector_store %arg5[%parallel_loop3A_55, %parallel_loop3A_56], %parallel_loop3A_54 {strides = array<i32>} : memref<256x128xf32, #tpu.memory_space<vmem>>, vector<16xf32>,
      %parallel_loop3A_58 = arith.constant 96 : i32
      %parallel_loop3A_59 = vector.broadcast %parallel_loop3A_58 : i32 to vector<16xi32>
      %parallel_loop3A_60 = arith.addi %iota3A, %parallel_loop3A_59 : vector<16xi32>
      %parallel_loop3A_61 = tpu.vector_load_idx %arg4[%parallel_loop3A_60, %parallel_loop3A_15] : memref<128x256xf32, #tpu.memory_space<vmem>>[vector<16xi32>, vector<16xi32>], vector<16xf32>,
      %parallel_loop3A_62 = arith.index_cast %parallel_loop3A_14 : i32 to index
      %parallel_loop3A_63 = arith.constant 96 : index
      %parallel_loop3A_64 = tpu.vector_load %arg5[%parallel_loop3A_62, %parallel_loop3A_63] {strides = array<i32>} : memref<256x128xf32, #tpu.memory_space<vmem>>, vector<16xf32>,
      tpu.vector_store %arg5[%parallel_loop3A_62, %parallel_loop3A_63], %parallel_loop3A_61 {strides = array<i32>} : memref<256x128xf32, #tpu.memory_space<vmem>>, vector<16xf32>,
      %parallel_loop3A_65 = arith.constant 112 : i32
      %parallel_loop3A_66 = vector.broadcast %parallel_loop3A_65 : i32 to vector<16xi32>
      %parallel_loop3A_67 = arith.addi %iota3A, %parallel_loop3A_66 : vector<16xi32>
      %parallel_loop3A_68 = tpu.vector_load_idx %arg4[%parallel_loop3A_67, %parallel_loop3A_15] : memref<128x256xf32, #tpu.memory_space<vmem>>[vector<16xi32>, vector<16xi32>], vector<16xf32>,
      %parallel_loop3A_69 = arith.index_cast %parallel_loop3A_14 : i32 to index
      %parallel_loop3A_70 = arith.constant 112 : index
      %parallel_loop3A_71 = tpu.vector_load %arg5[%parallel_loop3A_69, %parallel_loop3A_70] {strides = array<i32>} : memref<256x128xf32, #tpu.memory_space<vmem>>, vector<16xf32>,
      tpu.vector_store %arg5[%parallel_loop3A_69, %parallel_loop3A_70], %parallel_loop3A_68 {strides = array<i32>} : memref<256x128xf32, #tpu.memory_space<vmem>>, vector<16xf32>,
    } {sc.loop_unroll_factor = 4 : i64, sc.parallel_access}
    "tpu.region"() ({
      %run_scoped3A = tpu.sem_alloc : memref<!tpu.dma_semaphore, #tpu.memory_space<semaphore_mem>>
      %dma_start3A = arith.constant 0 : i32
      %dma_start3A_14 = tpu.memref_slice %arg3[%dma_start3A, %mul3A_2] : memref<1024x4096xf32, #tpu.memory_space<hbm>> -> memref<256x128xf32, #tpu.memory_space<hbm>>
      %dma_start3A_15 = arith.constant 0 : i32
      %dma_start3A_16 = tpu.memref_slice %arg3[%dma_start3A_15, %mul3A_2] : memref<1024x4096xf32, #tpu.memory_space<hbm>> -> memref<256x128xf32, #tpu.memory_space<hbm>>
      tpu.enqueue_dma source(%arg5 : memref<256x128xf32, #tpu.memory_space<vmem>>) target(%dma_start3A_16 : memref<256x128xf32, #tpu.memory_space<hbm>>) target_semaphore(%run_scoped3A : memref<!tpu.dma_semaphore, #tpu.memory_space<semaphore_mem>>)
      %dma_wait3A = arith.constant 0 : i32
      %dma_wait3A_17 = tpu.memref_slice %arg3[%dma_wait3A, %mul3A_2] : memref<1024x4096xf32, #tpu.memory_space<hbm>> -> memref<256x128xf32, #tpu.memory_space<hbm>>
      %dma_wait3A_18 = arith.constant 0 : i32
      %dma_wait3A_19 = tpu.memref_slice %arg3[%dma_wait3A_18, %mul3A_2] : memref<1024x4096xf32, #tpu.memory_space<hbm>> -> memref<256x128xf32, #tpu.memory_space<hbm>>
      tpu.wait_dma2 semaphore(%run_scoped3A : memref<!tpu.dma_semaphore, #tpu.memory_space<semaphore_mem>>) src(%arg5 : memref<256x128xf32, #tpu.memory_space<vmem>>) dst(%dma_wait3A_19 : memref<256x128xf32, #tpu.memory_space<hbm>>)
      tpu.yield
    }) : () -> ()
    "tpu.region"() ({
      %run_scoped3A = tpu.sem_alloc : memref<!tpu.dma_semaphore, #tpu.memory_space<semaphore_mem>>
      %dma_start3A = arith.constant 256 : i32
      %dma_start3A_14 = tpu.memref_slice %arg2[%mul3A_2, %dma_start3A] : memref<4096x1024xf32, #tpu.memory_space<hbm>> -> memref<128x256xf32, #tpu.memory_space<hbm>>
      %dma_start3A_15 = arith.constant 256 : i32
      %dma_start3A_16 = tpu.memref_slice %arg2[%mul3A_2, %dma_start3A_15] : memref<4096x1024xf32, #tpu.memory_space<hbm>> -> memref<128x256xf32, #tpu.memory_space<hbm>>
      tpu.enqueue_dma source(%dma_start3A_16 : memref<128x256xf32, #tpu.memory_space<hbm>>) target(%arg4 : memref<128x256xf32, #tpu.memory_space<vmem>>) target_semaphore(%run_scoped3A : memref<!tpu.dma_semaphore, #tpu.memory_space<semaphore_mem>>)
      %dma_wait3A = arith.constant 256 : i32
      %dma_wait3A_17 = tpu.memref_slice %arg2[%mul3A_2, %dma_wait3A] : memref<4096x1024xf32, #tpu.memory_space<hbm>> -> memref<128x256xf32, #tpu.memory_space<hbm>>
      %dma_wait3A_18 = arith.constant 256 : i32
      %dma_wait3A_19 = tpu.memref_slice %arg2[%mul3A_2, %dma_wait3A_18] : memref<4096x1024xf32, #tpu.memory_space<hbm>> -> memref<128x256xf32, #tpu.memory_space<hbm>>
      tpu.wait_dma2 semaphore(%run_scoped3A : memref<!tpu.dma_semaphore, #tpu.memory_space<semaphore_mem>>) src(%dma_wait3A_19 : memref<128x256xf32, #tpu.memory_space<hbm>>) dst(%arg4 : memref<128x256xf32, #tpu.memory_space<vmem>>)
      tpu.yield
    }) : () -> ()
    %parallel_loop3A_5 = arith.constant 0 : i32
    %parallel_loop3A_6 = arith.constant 256 : i32
    %parallel_loop3A_7 = arith.constant 1 : i32
    scf.for %parallel_loop3A_14 = %parallel_loop3A_5 to %parallel_loop3A_6 step %parallel_loop3A_7  : i32 {
      %parallel_loop3A_15 = vector.broadcast %parallel_loop3A_14 : i32 to vector<16xi32>
      %parallel_loop3A_16 = arith.constant 0 : i32
      %parallel_loop3A_17 = vector.broadcast %parallel_loop3A_16 : i32 to vector<16xi32>
      %parallel_loop3A_18 = arith.addi %iota3A, %parallel_loop3A_17 : vector<16xi32>
      %parallel_loop3A_19 = tpu.vector_load_idx %arg4[%parallel_loop3A_18, %parallel_loop3A_15] : memref<128x256xf32, #tpu.memory_space<vmem>>[vector<16xi32>, vector<16xi32>], vector<16xf32>,
      %parallel_loop3A_20 = arith.index_cast %parallel_loop3A_14 : i32 to index
      %parallel_loop3A_21 = arith.constant 0 : index
      %parallel_loop3A_22 = tpu.vector_load %arg5[%parallel_loop3A_20, %parallel_loop3A_21] {strides = array<i32>} : memref<256x128xf32, #tpu.memory_space<vmem>>, vector<16xf32>,
      tpu.vector_store %arg5[%parallel_loop3A_20, %parallel_loop3A_21], %parallel_loop3A_19 {strides = array<i32>} : memref<256x128xf32, #tpu.memory_space<vmem>>, vector<16xf32>,
      %parallel_loop3A_23 = arith.constant 16 : i32
      %parallel_loop3A_24 = vector.broadcast %parallel_loop3A_23 : i32 to vector<16xi32>
      %parallel_loop3A_25 = arith.addi %iota3A, %parallel_loop3A_24 : vector<16xi32>
      %parallel_loop3A_26 = tpu.vector_load_idx %arg4[%parallel_loop3A_25, %parallel_loop3A_15] : memref<128x256xf32, #tpu.memory_space<vmem>>[vector<16xi32>, vector<16xi32>], vector<16xf32>,
      %parallel_loop3A_27 = arith.index_cast %parallel_loop3A_14 : i32 to index
      %parallel_loop3A_28 = arith.constant 16 : index
      %parallel_loop3A_29 = tpu.vector_load %arg5[%parallel_loop3A_27, %parallel_loop3A_28] {strides = array<i32>} : memref<256x128xf32, #tpu.memory_space<vmem>>, vector<16xf32>,
      tpu.vector_store %arg5[%parallel_loop3A_27, %parallel_loop3A_28], %parallel_loop3A_26 {strides = array<i32>} : memref<256x128xf32, #tpu.memory_space<vmem>>, vector<16xf32>,
      %parallel_loop3A_30 = arith.constant 32 : i32
      %parallel_loop3A_31 = vector.broadcast %parallel_loop3A_30 : i32 to vector<16xi32>
      %parallel_loop3A_32 = arith.addi %iota3A, %parallel_loop3A_31 : vector<16xi32>
      %parallel_loop3A_33 = tpu.vector_load_idx %arg4[%parallel_loop3A_32, %parallel_loop3A_15] : memref<128x256xf32, #tpu.memory_space<vmem>>[vector<16xi32>, vector<16xi32>], vector<16xf32>,
      %parallel_loop3A_34 = arith.index_cast %parallel_loop3A_14 : i32 to index
      %parallel_loop3A_35 = arith.constant 32 : index
      %parallel_loop3A_36 = tpu.vector_load %arg5[%parallel_loop3A_34, %parallel_loop3A_35] {strides = array<i32>} : memref<256x128xf32, #tpu.memory_space<vmem>>, vector<16xf32>,
      tpu.vector_store %arg5[%parallel_loop3A_34, %parallel_loop3A_35], %parallel_loop3A_33 {strides = array<i32>} : memref<256x128xf32, #tpu.memory_space<vmem>>, vector<16xf32>,
      %parallel_loop3A_37 = arith.constant 48 : i32
      %parallel_loop3A_38 = vector.broadcast %parallel_loop3A_37 : i32 to vector<16xi32>
      %parallel_loop3A_39 = arith.addi %iota3A, %parallel_loop3A_38 : vector<16xi32>
      %parallel_loop3A_40 = tpu.vector_load_idx %arg4[%parallel_loop3A_39, %parallel_loop3A_15] : memref<128x256xf32, #tpu.memory_space<vmem>>[vector<16xi32>, vector<16xi32>], vector<16xf32>,
      %parallel_loop3A_41 = arith.index_cast %parallel_loop3A_14 : i32 to index
      %parallel_loop3A_42 = arith.constant 48 : index
      %parallel_loop3A_43 = tpu.vector_load %arg5[%parallel_loop3A_41, %parallel_loop3A_42] {strides = array<i32>} : memref<256x128xf32, #tpu.memory_space<vmem>>, vector<16xf32>,
      tpu.vector_store %arg5[%parallel_loop3A_41, %parallel_loop3A_42], %parallel_loop3A_40 {strides = array<i32>} : memref<256x128xf32, #tpu.memory_space<vmem>>, vector<16xf32>,
      %parallel_loop3A_44 = arith.constant 64 : i32
      %parallel_loop3A_45 = vector.broadcast %parallel_loop3A_44 : i32 to vector<16xi32>
      %parallel_loop3A_46 = arith.addi %iota3A, %parallel_loop3A_45 : vector<16xi32>
      %parallel_loop3A_47 = tpu.vector_load_idx %arg4[%parallel_loop3A_46, %parallel_loop3A_15] : memref<128x256xf32, #tpu.memory_space<vmem>>[vector<16xi32>, vector<16xi32>], vector<16xf32>,
      %parallel_loop3A_48 = arith.index_cast %parallel_loop3A_14 : i32 to index
      %parallel_loop3A_49 = arith.constant 64 : index
      %parallel_loop3A_50 = tpu.vector_load %arg5[%parallel_loop3A_48, %parallel_loop3A_49] {strides = array<i32>} : memref<256x128xf32, #tpu.memory_space<vmem>>, vector<16xf32>,
      tpu.vector_store %arg5[%parallel_loop3A_48, %parallel_loop3A_49], %parallel_loop3A_47 {strides = array<i32>} : memref<256x128xf32, #tpu.memory_space<vmem>>, vector<16xf32>,
      %parallel_loop3A_51 = arith.constant 80 : i32
      %parallel_loop3A_52 = vector.broadcast %parallel_loop3A_51 : i32 to vector<16xi32>
      %parallel_loop3A_53 = arith.addi %iota3A, %parallel_loop3A_52 : vector<16xi32>
      %parallel_loop3A_54 = tpu.vector_load_idx %arg4[%parallel_loop3A_53, %parallel_loop3A_15] : memref<128x256xf32, #tpu.memory_space<vmem>>[vector<16xi32>, vector<16xi32>], vector<16xf32>,
      %parallel_loop3A_55 = arith.index_cast %parallel_loop3A_14 : i32 to index
      %parallel_loop3A_56 = arith.constant 80 : index
      %parallel_loop3A_57 = tpu.vector_load %arg5[%parallel_loop3A_55, %parallel_loop3A_56] {strides = array<i32>} : memref<256x128xf32, #tpu.memory_space<vmem>>, vector<16xf32>,
      tpu.vector_store %arg5[%parallel_loop3A_55, %parallel_loop3A_56], %parallel_loop3A_54 {strides = array<i32>} : memref<256x128xf32, #tpu.memory_space<vmem>>, vector<16xf32>,
      %parallel_loop3A_58 = arith.constant 96 : i32
      %parallel_loop3A_59 = vector.broadcast %parallel_loop3A_58 : i32 to vector<16xi32>
      %parallel_loop3A_60 = arith.addi %iota3A, %parallel_loop3A_59 : vector<16xi32>
      %parallel_loop3A_61 = tpu.vector_load_idx %arg4[%parallel_loop3A_60, %parallel_loop3A_15] : memref<128x256xf32, #tpu.memory_space<vmem>>[vector<16xi32>, vector<16xi32>], vector<16xf32>,
      %parallel_loop3A_62 = arith.index_cast %parallel_loop3A_14 : i32 to index
      %parallel_loop3A_63 = arith.constant 96 : index
      %parallel_loop3A_64 = tpu.vector_load %arg5[%parallel_loop3A_62, %parallel_loop3A_63] {strides = array<i32>} : memref<256x128xf32, #tpu.memory_space<vmem>>, vector<16xf32>,
      tpu.vector_store %arg5[%parallel_loop3A_62, %parallel_loop3A_63], %parallel_loop3A_61 {strides = array<i32>} : memref<256x128xf32, #tpu.memory_space<vmem>>, vector<16xf32>,
      %parallel_loop3A_65 = arith.constant 112 : i32
      %parallel_loop3A_66 = vector.broadcast %parallel_loop3A_65 : i32 to vector<16xi32>
      %parallel_loop3A_67 = arith.addi %iota3A, %parallel_loop3A_66 : vector<16xi32>
      %parallel_loop3A_68 = tpu.vector_load_idx %arg4[%parallel_loop3A_67, %parallel_loop3A_15] : memref<128x256xf32, #tpu.memory_space<vmem>>[vector<16xi32>, vector<16xi32>], vector<16xf32>,
      %parallel_loop3A_69 = arith.index_cast %parallel_loop3A_14 : i32 to index
      %parallel_loop3A_70 = arith.constant 112 : index
      %parallel_loop3A_71 = tpu.vector_load %arg5[%parallel_loop3A_69, %parallel_loop3A_70] {strides = array<i32>} : memref<256x128xf32, #tpu.memory_space<vmem>>, vector<16xf32>,
      tpu.vector_store %arg5[%parallel_loop3A_69, %parallel_loop3A_70], %parallel_loop3A_68 {strides = array<i32>} : memref<256x128xf32, #tpu.memory_space<vmem>>, vector<16xf32>,
    } {sc.loop_unroll_factor = 4 : i64, sc.parallel_access}
    "tpu.region"() ({
      %run_scoped3A = tpu.sem_alloc : memref<!tpu.dma_semaphore, #tpu.memory_space<semaphore_mem>>
      %dma_start3A = arith.constant 256 : i32
      %dma_start3A_14 = tpu.memref_slice %arg3[%dma_start3A, %mul3A_2] : memref<1024x4096xf32, #tpu.memory_space<hbm>> -> memref<256x128xf32, #tpu.memory_space<hbm>>
      %dma_start3A_15 = arith.constant 256 : i32
      %dma_start3A_16 = tpu.memref_slice %arg3[%dma_start3A_15, %mul3A_2] : memref<1024x4096xf32, #tpu.memory_space<hbm>> -> memref<256x128xf32, #tpu.memory_space<hbm>>
      tpu.enqueue_dma source(%arg5 : memref<256x128xf32, #tpu.memory_space<vmem>>) target(%dma_start3A_16 : memref<256x128xf32, #tpu.memory_space<hbm>>) target_semaphore(%run_scoped3A : memref<!tpu.dma_semaphore, #tpu.memory_space<semaphore_mem>>)
      %dma_wait3A = arith.constant 256 : i32
      %dma_wait3A_17 = tpu.memref_slice %arg3[%dma_wait3A, %mul3A_2] : memref<1024x4096xf32, #tpu.memory_space<hbm>> -> memref<256x128xf32, #tpu.memory_space<hbm>>
      %dma_wait3A_18 = arith.constant 256 : i32
      %dma_wait3A_19 = tpu.memref_slice %arg3[%dma_wait3A_18, %mul3A_2] : memref<1024x4096xf32, #tpu.memory_space<hbm>> -> memref<256x128xf32, #tpu.memory_space<hbm>>
      tpu.wait_dma2 semaphore(%run_scoped3A : memref<!tpu.dma_semaphore, #tpu.memory_space<semaphore_mem>>) src(%arg5 : memref<256x128xf32, #tpu.memory_space<vmem>>) dst(%dma_wait3A_19 : memref<256x128xf32, #tpu.memory_space<hbm>>)
      tpu.yield
    }) : () -> ()
    "tpu.region"() ({
      %run_scoped3A = tpu.sem_alloc : memref<!tpu.dma_semaphore, #tpu.memory_space<semaphore_mem>>
      %dma_start3A = arith.constant 512 : i32
      %dma_start3A_14 = tpu.memref_slice %arg2[%mul3A_2, %dma_start3A] : memref<4096x1024xf32, #tpu.memory_space<hbm>> -> memref<128x256xf32, #tpu.memory_space<hbm>>
      %dma_start3A_15 = arith.constant 512 : i32
      %dma_start3A_16 = tpu.memref_slice %arg2[%mul3A_2, %dma_start3A_15] : memref<4096x1024xf32, #tpu.memory_space<hbm>> -> memref<128x256xf32, #tpu.memory_space<hbm>>
      tpu.enqueue_dma source(%dma_start3A_16 : memref<128x256xf32, #tpu.memory_space<hbm>>) target(%arg4 : memref<128x256xf32, #tpu.memory_space<vmem>>) target_semaphore(%run_scoped3A : memref<!tpu.dma_semaphore, #tpu.memory_space<semaphore_mem>>)
      %dma_wait3A = arith.constant 512 : i32
      %dma_wait3A_17 = tpu.memref_slice %arg2[%mul3A_2, %dma_wait3A] : memref<4096x1024xf32, #tpu.memory_space<hbm>> -> memref<128x256xf32, #tpu.memory_space<hbm>>
      %dma_wait3A_18 = arith.constant 512 : i32
      %dma_wait3A_19 = tpu.memref_slice %arg2[%mul3A_2, %dma_wait3A_18] : memref<4096x1024xf32, #tpu.memory_space<hbm>> -> memref<128x256xf32, #tpu.memory_space<hbm>>
      tpu.wait_dma2 semaphore(%run_scoped3A : memref<!tpu.dma_semaphore, #tpu.memory_space<semaphore_mem>>) src(%dma_wait3A_19 : memref<128x256xf32, #tpu.memory_space<hbm>>) dst(%arg4 : memref<128x256xf32, #tpu.memory_space<vmem>>)
      tpu.yield
    }) : () -> ()
    %parallel_loop3A_8 = arith.constant 0 : i32
    %parallel_loop3A_9 = arith.constant 256 : i32
    %parallel_loop3A_10 = arith.constant 1 : i32
    scf.for %parallel_loop3A_14 = %parallel_loop3A_8 to %parallel_loop3A_9 step %parallel_loop3A_10  : i32 {
      %parallel_loop3A_15 = vector.broadcast %parallel_loop3A_14 : i32 to vector<16xi32>
      %parallel_loop3A_16 = arith.constant 0 : i32
      %parallel_loop3A_17 = vector.broadcast %parallel_loop3A_16 : i32 to vector<16xi32>
      %parallel_loop3A_18 = arith.addi %iota3A, %parallel_loop3A_17 : vector<16xi32>
      %parallel_loop3A_19 = tpu.vector_load_idx %arg4[%parallel_loop3A_18, %parallel_loop3A_15] : memref<128x256xf32, #tpu.memory_space<vmem>>[vector<16xi32>, vector<16xi32>], vector<16xf32>,
      %parallel_loop3A_20 = arith.index_cast %parallel_loop3A_14 : i32 to index
      %parallel_loop3A_21 = arith.constant 0 : index
      %parallel_loop3A_22 = tpu.vector_load %arg5[%parallel_loop3A_20, %parallel_loop3A_21] {strides = array<i32>} : memref<256x128xf32, #tpu.memory_space<vmem>>, vector<16xf32>,
      tpu.vector_store %arg5[%parallel_loop3A_20, %parallel_loop3A_21], %parallel_loop3A_19 {strides = array<i32>} : memref<256x128xf32, #tpu.memory_space<vmem>>, vector<16xf32>,
      %parallel_loop3A_23 = arith.constant 16 : i32
      %parallel_loop3A_24 = vector.broadcast %parallel_loop3A_23 : i32 to vector<16xi32>
      %parallel_loop3A_25 = arith.addi %iota3A, %parallel_loop3A_24 : vector<16xi32>
      %parallel_loop3A_26 = tpu.vector_load_idx %arg4[%parallel_loop3A_25, %parallel_loop3A_15] : memref<128x256xf32, #tpu.memory_space<vmem>>[vector<16xi32>, vector<16xi32>], vector<16xf32>,
      %parallel_loop3A_27 = arith.index_cast %parallel_loop3A_14 : i32 to index
      %parallel_loop3A_28 = arith.constant 16 : index
      %parallel_loop3A_29 = tpu.vector_load %arg5[%parallel_loop3A_27, %parallel_loop3A_28] {strides = array<i32>} : memref<256x128xf32, #tpu.memory_space<vmem>>, vector<16xf32>,
      tpu.vector_store %arg5[%parallel_loop3A_27, %parallel_loop3A_28], %parallel_loop3A_26 {strides = array<i32>} : memref<256x128xf32, #tpu.memory_space<vmem>>, vector<16xf32>,
      %parallel_loop3A_30 = arith.constant 32 : i32
      %parallel_loop3A_31 = vector.broadcast %parallel_loop3A_30 : i32 to vector<16xi32>
      %parallel_loop3A_32 = arith.addi %iota3A, %parallel_loop3A_31 : vector<16xi32>
      %parallel_loop3A_33 = tpu.vector_load_idx %arg4[%parallel_loop3A_32, %parallel_loop3A_15] : memref<128x256xf32, #tpu.memory_space<vmem>>[vector<16xi32>, vector<16xi32>], vector<16xf32>,
      %parallel_loop3A_34 = arith.index_cast %parallel_loop3A_14 : i32 to index
      %parallel_loop3A_35 = arith.constant 32 : index
      %parallel_loop3A_36 = tpu.vector_load %arg5[%parallel_loop3A_34, %parallel_loop3A_35] {strides = array<i32>} : memref<256x128xf32, #tpu.memory_space<vmem>>, vector<16xf32>,
      tpu.vector_store %arg5[%parallel_loop3A_34, %parallel_loop3A_35], %parallel_loop3A_33 {strides = array<i32>} : memref<256x128xf32, #tpu.memory_space<vmem>>, vector<16xf32>,
      %parallel_loop3A_37 = arith.constant 48 : i32
      %parallel_loop3A_38 = vector.broadcast %parallel_loop3A_37 : i32 to vector<16xi32>
      %parallel_loop3A_39 = arith.addi %iota3A, %parallel_loop3A_38 : vector<16xi32>
      %parallel_loop3A_40 = tpu.vector_load_idx %arg4[%parallel_loop3A_39, %parallel_loop3A_15] : memref<128x256xf32, #tpu.memory_space<vmem>>[vector<16xi32>, vector<16xi32>], vector<16xf32>,
      %parallel_loop3A_41 = arith.index_cast %parallel_loop3A_14 : i32 to index
      %parallel_loop3A_42 = arith.constant 48 : index
      %parallel_loop3A_43 = tpu.vector_load %arg5[%parallel_loop3A_41, %parallel_loop3A_42] {strides = array<i32>} : memref<256x128xf32, #tpu.memory_space<vmem>>, vector<16xf32>,
      tpu.vector_store %arg5[%parallel_loop3A_41, %parallel_loop3A_42], %parallel_loop3A_40 {strides = array<i32>} : memref<256x128xf32, #tpu.memory_space<vmem>>, vector<16xf32>,
      %parallel_loop3A_44 = arith.constant 64 : i32
      %parallel_loop3A_45 = vector.broadcast %parallel_loop3A_44 : i32 to vector<16xi32>
      %parallel_loop3A_46 = arith.addi %iota3A, %parallel_loop3A_45 : vector<16xi32>
      %parallel_loop3A_47 = tpu.vector_load_idx %arg4[%parallel_loop3A_46, %parallel_loop3A_15] : memref<128x256xf32, #tpu.memory_space<vmem>>[vector<16xi32>, vector<16xi32>], vector<16xf32>,
      %parallel_loop3A_48 = arith.index_cast %parallel_loop3A_14 : i32 to index
      %parallel_loop3A_49 = arith.constant 64 : index
      %parallel_loop3A_50 = tpu.vector_load %arg5[%parallel_loop3A_48, %parallel_loop3A_49] {strides = array<i32>} : memref<256x128xf32, #tpu.memory_space<vmem>>, vector<16xf32>,
      tpu.vector_store %arg5[%parallel_loop3A_48, %parallel_loop3A_49], %parallel_loop3A_47 {strides = array<i32>} : memref<256x128xf32, #tpu.memory_space<vmem>>, vector<16xf32>,
      %parallel_loop3A_51 = arith.constant 80 : i32
      %parallel_loop3A_52 = vector.broadcast %parallel_loop3A_51 : i32 to vector<16xi32>
      %parallel_loop3A_53 = arith.addi %iota3A, %parallel_loop3A_52 : vector<16xi32>
      %parallel_loop3A_54 = tpu.vector_load_idx %arg4[%parallel_loop3A_53, %parallel_loop3A_15] : memref<128x256xf32, #tpu.memory_space<vmem>>[vector<16xi32>, vector<16xi32>], vector<16xf32>,
      %parallel_loop3A_55 = arith.index_cast %parallel_loop3A_14 : i32 to index
      %parallel_loop3A_56 = arith.constant 80 : index
      %parallel_loop3A_57 = tpu.vector_load %arg5[%parallel_loop3A_55, %parallel_loop3A_56] {strides = array<i32>} : memref<256x128xf32, #tpu.memory_space<vmem>>, vector<16xf32>,
      tpu.vector_store %arg5[%parallel_loop3A_55, %parallel_loop3A_56], %parallel_loop3A_54 {strides = array<i32>} : memref<256x128xf32, #tpu.memory_space<vmem>>, vector<16xf32>,
      %parallel_loop3A_58 = arith.constant 96 : i32
      %parallel_loop3A_59 = vector.broadcast %parallel_loop3A_58 : i32 to vector<16xi32>
      %parallel_loop3A_60 = arith.addi %iota3A, %parallel_loop3A_59 : vector<16xi32>
      %parallel_loop3A_61 = tpu.vector_load_idx %arg4[%parallel_loop3A_60, %parallel_loop3A_15] : memref<128x256xf32, #tpu.memory_space<vmem>>[vector<16xi32>, vector<16xi32>], vector<16xf32>,
      %parallel_loop3A_62 = arith.index_cast %parallel_loop3A_14 : i32 to index
      %parallel_loop3A_63 = arith.constant 96 : index
      %parallel_loop3A_64 = tpu.vector_load %arg5[%parallel_loop3A_62, %parallel_loop3A_63] {strides = array<i32>} : memref<256x128xf32, #tpu.memory_space<vmem>>, vector<16xf32>,
      tpu.vector_store %arg5[%parallel_loop3A_62, %parallel_loop3A_63], %parallel_loop3A_61 {strides = array<i32>} : memref<256x128xf32, #tpu.memory_space<vmem>>, vector<16xf32>,
      %parallel_loop3A_65 = arith.constant 112 : i32
      %parallel_loop3A_66 = vector.broadcast %parallel_loop3A_65 : i32 to vector<16xi32>
      %parallel_loop3A_67 = arith.addi %iota3A, %parallel_loop3A_66 : vector<16xi32>
      %parallel_loop3A_68 = tpu.vector_load_idx %arg4[%parallel_loop3A_67, %parallel_loop3A_15] : memref<128x256xf32, #tpu.memory_space<vmem>>[vector<16xi32>, vector<16xi32>], vector<16xf32>,
      %parallel_loop3A_69 = arith.index_cast %parallel_loop3A_14 : i32 to index
      %parallel_loop3A_70 = arith.constant 112 : index
      %parallel_loop3A_71 = tpu.vector_load %arg5[%parallel_loop3A_69, %parallel_loop3A_70] {strides = array<i32>} : memref<256x128xf32, #tpu.memory_space<vmem>>, vector<16xf32>,
      tpu.vector_store %arg5[%parallel_loop3A_69, %parallel_loop3A_70], %parallel_loop3A_68 {strides = array<i32>} : memref<256x128xf32, #tpu.memory_space<vmem>>, vector<16xf32>,
    } {sc.loop_unroll_factor = 4 : i64, sc.parallel_access}
    "tpu.region"() ({
      %run_scoped3A = tpu.sem_alloc : memref<!tpu.dma_semaphore, #tpu.memory_space<semaphore_mem>>
      %dma_start3A = arith.constant 512 : i32
      %dma_start3A_14 = tpu.memref_slice %arg3[%dma_start3A, %mul3A_2] : memref<1024x4096xf32, #tpu.memory_space<hbm>> -> memref<256x128xf32, #tpu.memory_space<hbm>>
      %dma_start3A_15 = arith.constant 512 : i32
      %dma_start3A_16 = tpu.memref_slice %arg3[%dma_start3A_15, %mul3A_2] : memref<1024x4096xf32, #tpu.memory_space<hbm>> -> memref<256x128xf32, #tpu.memory_space<hbm>>
      tpu.enqueue_dma source(%arg5 : memref<256x128xf32, #tpu.memory_space<vmem>>) target(%dma_start3A_16 : memref<256x128xf32, #tpu.memory_space<hbm>>) target_semaphore(%run_scoped3A : memref<!tpu.dma_semaphore, #tpu.memory_space<semaphore_mem>>)
      %dma_wait3A = arith.constant 512 : i32
      %dma_wait3A_17 = tpu.memref_slice %arg3[%dma_wait3A, %mul3A_2] : memref<1024x4096xf32, #tpu.memory_space<hbm>> -> memref<256x128xf32, #tpu.memory_space<hbm>>
      %dma_wait3A_18 = arith.constant 512 : i32
      %dma_wait3A_19 = tpu.memref_slice %arg3[%dma_wait3A_18, %mul3A_2] : memref<1024x4096xf32, #tpu.memory_space<hbm>> -> memref<256x128xf32, #tpu.memory_space<hbm>>
      tpu.wait_dma2 semaphore(%run_scoped3A : memref<!tpu.dma_semaphore, #tpu.memory_space<semaphore_mem>>) src(%arg5 : memref<256x128xf32, #tpu.memory_space<vmem>>) dst(%dma_wait3A_19 : memref<256x128xf32, #tpu.memory_space<hbm>>)
      tpu.yield
    }) : () -> ()
    "tpu.region"() ({
      %run_scoped3A = tpu.sem_alloc : memref<!tpu.dma_semaphore, #tpu.memory_space<semaphore_mem>>
      %dma_start3A = arith.constant 768 : i32
      %dma_start3A_14 = tpu.memref_slice %arg2[%mul3A_2, %dma_start3A] : memref<4096x1024xf32, #tpu.memory_space<hbm>> -> memref<128x256xf32, #tpu.memory_space<hbm>>
      %dma_start3A_15 = arith.constant 768 : i32
      %dma_start3A_16 = tpu.memref_slice %arg2[%mul3A_2, %dma_start3A_15] : memref<4096x1024xf32, #tpu.memory_space<hbm>> -> memref<128x256xf32, #tpu.memory_space<hbm>>
      tpu.enqueue_dma source(%dma_start3A_16 : memref<128x256xf32, #tpu.memory_space<hbm>>) target(%arg4 : memref<128x256xf32, #tpu.memory_space<vmem>>) target_semaphore(%run_scoped3A : memref<!tpu.dma_semaphore, #tpu.memory_space<semaphore_mem>>)
      %dma_wait3A = arith.constant 768 : i32
      %dma_wait3A_17 = tpu.memref_slice %arg2[%mul3A_2, %dma_wait3A] : memref<4096x1024xf32, #tpu.memory_space<hbm>> -> memref<128x256xf32, #tpu.memory_space<hbm>>
      %dma_wait3A_18 = arith.constant 768 : i32
      %dma_wait3A_19 = tpu.memref_slice %arg2[%mul3A_2, %dma_wait3A_18] : memref<4096x1024xf32, #tpu.memory_space<hbm>> -> memref<128x256xf32, #tpu.memory_space<hbm>>
      tpu.wait_dma2 semaphore(%run_scoped3A : memref<!tpu.dma_semaphore, #tpu.memory_space<semaphore_mem>>) src(%dma_wait3A_19 : memref<128x256xf32, #tpu.memory_space<hbm>>) dst(%arg4 : memref<128x256xf32, #tpu.memory_space<vmem>>)
      tpu.yield
    }) : () -> ()
    %parallel_loop3A_11 = arith.constant 0 : i32
    %parallel_loop3A_12 = arith.constant 256 : i32
    %parallel_loop3A_13 = arith.constant 1 : i32
    scf.for %parallel_loop3A_14 = %parallel_loop3A_11 to %parallel_loop3A_12 step %parallel_loop3A_13  : i32 {
      %parallel_loop3A_15 = vector.broadcast %parallel_loop3A_14 : i32 to vector<16xi32>
      %parallel_loop3A_16 = arith.constant 0 : i32
      %parallel_loop3A_17 = vector.broadcast %parallel_loop3A_16 : i32 to vector<16xi32>
      %parallel_loop3A_18 = arith.addi %iota3A, %parallel_loop3A_17 : vector<16xi32>
      %parallel_loop3A_19 = tpu.vector_load_idx %arg4[%parallel_loop3A_18, %parallel_loop3A_15] : memref<128x256xf32, #tpu.memory_space<vmem>>[vector<16xi32>, vector<16xi32>], vector<16xf32>,
      %parallel_loop3A_20 = arith.index_cast %parallel_loop3A_14 : i32 to index
      %parallel_loop3A_21 = arith.constant 0 : index
      %parallel_loop3A_22 = tpu.vector_load %arg5[%parallel_loop3A_20, %parallel_loop3A_21] {strides = array<i32>} : memref<256x128xf32, #tpu.memory_space<vmem>>, vector<16xf32>,
      tpu.vector_store %arg5[%parallel_loop3A_20, %parallel_loop3A_21], %parallel_loop3A_19 {strides = array<i32>} : memref<256x128xf32, #tpu.memory_space<vmem>>, vector<16xf32>,
      %parallel_loop3A_23 = arith.constant 16 : i32
      %parallel_loop3A_24 = vector.broadcast %parallel_loop3A_23 : i32 to vector<16xi32>
      %parallel_loop3A_25 = arith.addi %iota3A, %parallel_loop3A_24 : vector<16xi32>
      %parallel_loop3A_26 = tpu.vector_load_idx %arg4[%parallel_loop3A_25, %parallel_loop3A_15] : memref<128x256xf32, #tpu.memory_space<vmem>>[vector<16xi32>, vector<16xi32>], vector<16xf32>,
      %parallel_loop3A_27 = arith.index_cast %parallel_loop3A_14 : i32 to index
      %parallel_loop3A_28 = arith.constant 16 : index
      %parallel_loop3A_29 = tpu.vector_load %arg5[%parallel_loop3A_27, %parallel_loop3A_28] {strides = array<i32>} : memref<256x128xf32, #tpu.memory_space<vmem>>, vector<16xf32>,
      tpu.vector_store %arg5[%parallel_loop3A_27, %parallel_loop3A_28], %parallel_loop3A_26 {strides = array<i32>} : memref<256x128xf32, #tpu.memory_space<vmem>>, vector<16xf32>,
      %parallel_loop3A_30 = arith.constant 32 : i32
      %parallel_loop3A_31 = vector.broadcast %parallel_loop3A_30 : i32 to vector<16xi32>
      %parallel_loop3A_32 = arith.addi %iota3A, %parallel_loop3A_31 : vector<16xi32>
      %parallel_loop3A_33 = tpu.vector_load_idx %arg4[%parallel_loop3A_32, %parallel_loop3A_15] : memref<128x256xf32, #tpu.memory_space<vmem>>[vector<16xi32>, vector<16xi32>], vector<16xf32>,
      %parallel_loop3A_34 = arith.index_cast %parallel_loop3A_14 : i32 to index
      %parallel_loop3A_35 = arith.constant 32 : index
      %parallel_loop3A_36 = tpu.vector_load %arg5[%parallel_loop3A_34, %parallel_loop3A_35] {strides = array<i32>} : memref<256x128xf32, #tpu.memory_space<vmem>>, vector<16xf32>,
      tpu.vector_store %arg5[%parallel_loop3A_34, %parallel_loop3A_35], %parallel_loop3A_33 {strides = array<i32>} : memref<256x128xf32, #tpu.memory_space<vmem>>, vector<16xf32>,
      %parallel_loop3A_37 = arith.constant 48 : i32
      %parallel_loop3A_38 = vector.broadcast %parallel_loop3A_37 : i32 to vector<16xi32>
      %parallel_loop3A_39 = arith.addi %iota3A, %parallel_loop3A_38 : vector<16xi32>
      %parallel_loop3A_40 = tpu.vector_load_idx %arg4[%parallel_loop3A_39, %parallel_loop3A_15] : memref<128x256xf32, #tpu.memory_space<vmem>>[vector<16xi32>, vector<16xi32>], vector<16xf32>,
      %parallel_loop3A_41 = arith.index_cast %parallel_loop3A_14 : i32 to index
      %parallel_loop3A_42 = arith.constant 48 : index
      %parallel_loop3A_43 = tpu.vector_load %arg5[%parallel_loop3A_41, %parallel_loop3A_42] {strides = array<i32>} : memref<256x128xf32, #tpu.memory_space<vmem>>, vector<16xf32>,
      tpu.vector_store %arg5[%parallel_loop3A_41, %parallel_loop3A_42], %parallel_loop3A_40 {strides = array<i32>} : memref<256x128xf32, #tpu.memory_space<vmem>>, vector<16xf32>,
      %parallel_loop3A_44 = arith.constant 64 : i32
      %parallel_loop3A_45 = vector.broadcast %parallel_loop3A_44 : i32 to vector<16xi32>
      %parallel_loop3A_46 = arith.addi %iota3A, %parallel_loop3A_45 : vector<16xi32>
      %parallel_loop3A_47 = tpu.vector_load_idx %arg4[%parallel_loop3A_46, %parallel_loop3A_15] : memref<128x256xf32, #tpu.memory_space<vmem>>[vector<16xi32>, vector<16xi32>], vector<16xf32>,
      %parallel_loop3A_48 = arith.index_cast %parallel_loop3A_14 : i32 to index
      %parallel_loop3A_49 = arith.constant 64 : index
      %parallel_loop3A_50 = tpu.vector_load %arg5[%parallel_loop3A_48, %parallel_loop3A_49] {strides = array<i32>} : memref<256x128xf32, #tpu.memory_space<vmem>>, vector<16xf32>,
      tpu.vector_store %arg5[%parallel_loop3A_48, %parallel_loop3A_49], %parallel_loop3A_47 {strides = array<i32>} : memref<256x128xf32, #tpu.memory_space<vmem>>, vector<16xf32>,
      %parallel_loop3A_51 = arith.constant 80 : i32
      %parallel_loop3A_52 = vector.broadcast %parallel_loop3A_51 : i32 to vector<16xi32>
      %parallel_loop3A_53 = arith.addi %iota3A, %parallel_loop3A_52 : vector<16xi32>
      %parallel_loop3A_54 = tpu.vector_load_idx %arg4[%parallel_loop3A_53, %parallel_loop3A_15] : memref<128x256xf32, #tpu.memory_space<vmem>>[vector<16xi32>, vector<16xi32>], vector<16xf32>,
      %parallel_loop3A_55 = arith.index_cast %parallel_loop3A_14 : i32 to index
      %parallel_loop3A_56 = arith.constant 80 : index
      %parallel_loop3A_57 = tpu.vector_load %arg5[%parallel_loop3A_55, %parallel_loop3A_56] {strides = array<i32>} : memref<256x128xf32, #tpu.memory_space<vmem>>, vector<16xf32>,
      tpu.vector_store %arg5[%parallel_loop3A_55, %parallel_loop3A_56], %parallel_loop3A_54 {strides = array<i32>} : memref<256x128xf32, #tpu.memory_space<vmem>>, vector<16xf32>,
      %parallel_loop3A_58 = arith.constant 96 : i32
      %parallel_loop3A_59 = vector.broadcast %parallel_loop3A_58 : i32 to vector<16xi32>
      %parallel_loop3A_60 = arith.addi %iota3A, %parallel_loop3A_59 : vector<16xi32>
      %parallel_loop3A_61 = tpu.vector_load_idx %arg4[%parallel_loop3A_60, %parallel_loop3A_15] : memref<128x256xf32, #tpu.memory_space<vmem>>[vector<16xi32>, vector<16xi32>], vector<16xf32>,
      %parallel_loop3A_62 = arith.index_cast %parallel_loop3A_14 : i32 to index
      %parallel_loop3A_63 = arith.constant 96 : index
      %parallel_loop3A_64 = tpu.vector_load %arg5[%parallel_loop3A_62, %parallel_loop3A_63] {strides = array<i32>} : memref<256x128xf32, #tpu.memory_space<vmem>>, vector<16xf32>,
      tpu.vector_store %arg5[%parallel_loop3A_62, %parallel_loop3A_63], %parallel_loop3A_61 {strides = array<i32>} : memref<256x128xf32, #tpu.memory_space<vmem>>, vector<16xf32>,
      %parallel_loop3A_65 = arith.constant 112 : i32
      %parallel_loop3A_66 = vector.broadcast %parallel_loop3A_65 : i32 to vector<16xi32>
      %parallel_loop3A_67 = arith.addi %iota3A, %parallel_loop3A_66 : vector<16xi32>
      %parallel_loop3A_68 = tpu.vector_load_idx %arg4[%parallel_loop3A_67, %parallel_loop3A_15] : memref<128x256xf32, #tpu.memory_space<vmem>>[vector<16xi32>, vector<16xi32>], vector<16xf32>,
      %parallel_loop3A_69 = arith.index_cast %parallel_loop3A_14 : i32 to index
      %parallel_loop3A_70 = arith.constant 112 : index
      %parallel_loop3A_71 = tpu.vector_load %arg5[%parallel_loop3A_69, %parallel_loop3A_70] {strides = array<i32>} : memref<256x128xf32, #tpu.memory_space<vmem>>, vector<16xf32>,
      tpu.vector_store %arg5[%parallel_loop3A_69, %parallel_loop3A_70], %parallel_loop3A_68 {strides = array<i32>} : memref<256x128xf32, #tpu.memory_space<vmem>>, vector<16xf32>,
    } {sc.loop_unroll_factor = 4 : i64, sc.parallel_access}
    "tpu.region"() ({
      %run_scoped3A = tpu.sem_alloc : memref<!tpu.dma_semaphore, #tpu.memory_space<semaphore_mem>>
      %dma_start3A = arith.constant 768 : i32
      %dma_start3A_14 = tpu.memref_slice %arg3[%dma_start3A, %mul3A_2] : memref<1024x4096xf32, #tpu.memory_space<hbm>> -> memref<256x128xf32, #tpu.memory_space<hbm>>
      %dma_start3A_15 = arith.constant 768 : i32
      %dma_start3A_16 = tpu.memref_slice %arg3[%dma_start3A_15, %mul3A_2] : memref<1024x4096xf32, #tpu.memory_space<hbm>> -> memref<256x128xf32, #tpu.memory_space<hbm>>
      tpu.enqueue_dma source(%arg5 : memref<256x128xf32, #tpu.memory_space<vmem>>) target(%dma_start3A_16 : memref<256x128xf32, #tpu.memory_space<hbm>>) target_semaphore(%run_scoped3A : memref<!tpu.dma_semaphore, #tpu.memory_space<semaphore_mem>>)
      %dma_wait3A = arith.constant 768 : i32
      %dma_wait3A_17 = tpu.memref_slice %arg3[%dma_wait3A, %mul3A_2] : memref<1024x4096xf32, #tpu.memory_space<hbm>> -> memref<256x128xf32, #tpu.memory_space<hbm>>
      %dma_wait3A_18 = arith.constant 768 : i32
      %dma_wait3A_19 = tpu.memref_slice %arg3[%dma_wait3A_18, %mul3A_2] : memref<1024x4096xf32, #tpu.memory_space<hbm>> -> memref<256x128xf32, #tpu.memory_space<hbm>>
      tpu.wait_dma2 semaphore(%run_scoped3A : memref<!tpu.dma_semaphore, #tpu.memory_space<semaphore_mem>>) src(%arg5 : memref<256x128xf32, #tpu.memory_space<vmem>>) dst(%dma_wait3A_19 : memref<256x128xf32, #tpu.memory_space<hbm>>)
      tpu.yield
    }) : () -> ()
    return
  }
}

module attributes {stable_mosaic.version = 14 : i64} {
  func.func @_tc_add_body(%arg0: i32, %arg1: memref<4x128x4096xf32, #tpu.memory_space<vmem>>, %arg2: memref<128x4096xf32, #tpu.memory_space<vmem>>, %arg3: memref<4x128x4096xf32, #tpu.memory_space<vmem>>) attributes {dimension_semantics = [#tpu.dimension_semantics<arbitrary>], iteration_bounds = array<i64: 8>, scalar_prefetch = 0 : i64, scratch_operands = 0 : i64, tpu.core_type = #tpu.core_type<tc>, window_params = [{transform_indices = @transform_0, window_bounds = array<i64: 4, 128, 4096>}, {transform_indices = @transform_1, window_bounds = array<i64: 128, 4096>}, {transform_indices = @transform_2, window_bounds = array<i64: 4, 128, 4096>}]} {
    %get3A = arith.constant 0 : index
    %get3A_0 = arith.constant 0 : index
    %get3A_1 = arith.constant 0 : index
    %get3A_2 = vector.load %arg1[%get3A, %get3A_0, %get3A_1] : memref<4x128x4096xf32, #tpu.memory_space<vmem>>, vector<4x128x4096xf32>
    %get3A_3 = arith.constant 0 : index
    %get3A_4 = arith.constant 0 : index
    %get3A_5 = vector.load %arg2[%get3A_3, %get3A_4] : memref<128x4096xf32, #tpu.memory_space<vmem>>, vector<128x4096xf32>
    %broadcast_in_dim3A = vector.shape_cast %get3A_5 : vector<128x4096xf32> to vector<1x128x4096xf32>
    %add3A = vector.broadcast %broadcast_in_dim3A : vector<1x128x4096xf32> to vector<4x128x4096xf32>
    %add3A_6 = arith.addf %get3A_2, %add3A : vector<4x128x4096xf32>
    %swap3A = arith.constant 0 : index
    %swap3A_7 = arith.constant 0 : index
    %swap3A_8 = arith.constant 0 : index
    %swap3A_9 = vector.load %arg3[%swap3A, %swap3A_7, %swap3A_8] : memref<4x128x4096xf32, #tpu.memory_space<vmem>>, vector<4x128x4096xf32>
    tpu.vector_store %arg3[%swap3A, %swap3A_7, %swap3A_8], %add3A_6 {strides = array<i32>} : memref<4x128x4096xf32, #tpu.memory_space<vmem>>, vector<4x128x4096xf32>,
    return
  }
  func.func @transform_0(%arg0: i32) -> (i32, i32, i32) {
    %c0_i32 = arith.constant 0 : i32
    %c0_i32_0 = arith.constant 0 : i32
    %c0_i32_1 = arith.constant 0 : i32
    return %c0_i32, %arg0, %c0_i32_0 : i32, i32, i32
  }
  func.func @transform_1(%arg0: i32) -> (i32, i32) {
    %c0_i32 = arith.constant 0 : i32
    %c0_i32_0 = arith.constant 0 : i32
    return %arg0, %c0_i32 : i32, i32
  }
  func.func @transform_2(%arg0: i32) -> (i32, i32, i32) {
    %c0_i32 = arith.constant 0 : i32
    %c0_i32_0 = arith.constant 0 : i32
    %c0_i32_1 = arith.constant 0 : i32
    return %c0_i32, %arg0, %c0_i32_0 : i32, i32, i32
  }
}

</mosaic_0001>

<sc_bundles>
// kernel: kernel.4.cloned.1.call-start
scs
__scs_entry_jumppad:
0x0: {  	(pc) =	sbr.rel $0x88, $3  }
0x1: {  	(tag) =	ssettag $0x0;
	lr =	simm.s32 $0x1  }
0x2: {  	[smem:$0x3F9F] =	sst lr;
	_ =	strace $0xD0000000  }
0x3: {  	_ = 	snop  }
0x4: {  	_ = 	snop  }
0x5: {  	_ = 	snop  }
0x6: {  	_ = 	snop  }
0x7: {  	_ = 	snop  }
__scs_overlays_trampoline_lowered:
0x8: {  	[smem:$0x3FAE] =	sst s0  }
0x9: {  	[smem:$0x3FAF] =	sst s1  }
0xa: {  	[smem:$0x3FB0] =	sst s2  }
0xb: {  	[smem:$0x3FB1] =	sst s3  }
0xc: {  	[smem:$0x3FB2] =	sst s4  }
0xd: {  	[smem:$0x3FB3] =	sst s5  }
0xe: {  	[smem:$0x3FB4] =	sst s6  }
0xf: {  	[smem:$0x3FB5] =	sst s7  }
0x10: {  	[smem:$0x3FB6] =	sst s8  }
0x11: {  	[smem:$0x3FB7] =	sst s9;
	s0 =	simm.s32 @!p0 $0x0  }
0x12: {  	s1 =	sld [smem:$0x3F9D];
	s0 =	simm.s32 @p0 $0x1  }
0x13: {  	[smem:$0x3FB8] =	sst s0;
	s0 =	simm.s32 @!p1 $0x0  }
0x14: {  	s2 =	sld [smem:$0x3F9C];
	s0 =	simm.s32 @p1 $0x1  }
0x15: {  	[smem:$0x3FB9] =	sst s0;
	s0 =	simm.s32 @!p2 $0x0  }
0x16: {  	s3 =	sld [smem:$0x3FDB];
	s0 =	simm.s32 @p2 $0x1  }
0x17: {  	s4 =	simm.s32 $0x1BF5;
	[smem:$0x3FBB] =	sst s0  }
0x18: {  	s0 =	sld [smem:$0x3F9E];
	_ =	swait.ge [sflag:s4], $0x0  }
0x19: {  	s7 =	sld [smem:$0x3F9F]  }
0x1a: {  	s8 =	sadd.s32 $0xFFFFE003, lr  }
0x1b: {  	s9 =	sadd.s32 $0xFFFFFEF7, lr;
	s5 =	simm.s32 $0xFFFFFFFF;
	p2 =	slt.u32 s8, $0xFFFFF086  }
0x1c: {  	p1 =	slt.u32 s9, $0xF7A;
	s5 =	simm.s32 @!p2 $0x0  }
0x1d: {  	s5 =	simm.s32 @p1 $0x1;
	p0 =	seq.s32 s7, s2  }
0x1e: {  	s7 =	smul.u32 @!p0 $0xF7A, s2;
	p2 =	seq.s32 @!p0 s5, $0x0  }
0x1f: {  	s9 =	smul.u32 $0xF7A, s1;
	s8 =	simm.s32 @!p0 $0x1BF5;
	p2 =	por !p2, p0  }
0x20: {  	[sflag:s8] =	ssyncset.s32 @!p0 $0xFFFFF086;
	s6 =	sadd.s32 @!p0 s3, s7;
	s7 =	simm.s32 @!p0 $0x108  }
0x21: {  	s3 =	sadd.s32 s3, s9;
	s6 =	sadd.s32 @!p0 $0x88, s6;
	s7 =	simm.s32 @p2 $0x1082  }
0x22: {  	[simem:s7], [sflag:s8] =	dma.local @!p0 [hbm:s6], $0xF7A  }
0x23: {  	s9 =	sor.u32 $0xD0000000, s2;
	s6 =	simm.s32 $0x108;
	_ =	swait.ge @!p0 [sflag:s8], $0x0  }
0x24: {  	s3 =	sadd.s32 $0x88, s3;
	s6 =	simm.s32 @!p1 $0x1082;
	[sflag:s4] =	ssyncset.s32 $0xFFFFF086  }
0x25: {  	[simem:s6], [sflag:s4] =	dma.local [hbm:s3], $0xF7A  }
0x26: {  	[smem:$0x3F9F] =	sst s1;
	(tag) =	ssettag s2;
	_ =	strace s9  }
0x27: {  	s1 =	sld [smem:$0x3FAF]  }
0x28: {  	s2 =	sld [smem:$0x3FB0]  }
0x29: {  	s4 =	sld [smem:$0x3FB2]  }
0x2a: {  	p0 =	seq.s32 s5, $0x0;
	s5 =	sld [smem:$0x3FB3]  }
0x2b: {  	s6 =	sld [smem:$0x3FB4]  }
0x2c: {  	s7 =	sld [smem:$0x3FB5]  }
0x2d: {  	s3 =	simm.s32 $0x108;
	s8 =	sld [smem:$0x3FB6]  }
0x2e: {  	s3 =	simm.s32 @!p0 $0x1082;
	s9 =	sld [smem:$0x3FB7]  }
0x2f: {  	lr =	sadd.s32 s0, s3;
	s0 =	sld [smem:$0x3FAE]  }
0x30: {  	s3 =	sld [smem:$0x3FB1]  }
0x31: {  	[smem:$0x3FBA] =	sst s10  }
0x32: {  	s10 =	sld [smem:$0x3FB8];
	_ =	sdelay $0x3  }
0x33: {  	p0 =	seq.s32 s10, $0x1;
	s10 =	sld [smem:$0x3FBA];
	_ =	sdelay $0x3  }
0x34: {  	[smem:$0x3FBA] =	sst s10  }
0x35: {  	s10 =	sld [smem:$0x3FB9];
	_ =	sdelay $0x3  }
0x36: {  	p1 =	seq.s32 s10, $0x1;
	s10 =	sld [smem:$0x3FBA];
	_ =	sdelay $0x3  }
0x37: {  	[smem:$0x3FBA] =	sst s10  }
0x38: {  	s10 =	sld [smem:$0x3FBB]  }
0x39: {  	_ = 	snop;
	(pc) =	sbr.ind lr, $3  }
0x3a: {  	_ = 	snop  }
0x3b: {  	_ = 	snop  }
0x3c: {  	p2 =	seq.s32 s10, $0x1;
	s10 =	sld [smem:$0x3FBA]  }
0x3d: {  	_ =	shalt  }
0x3e: {  	_ =	shalt  }
0x3f: {  	_ =	shalt  }
0x40: {  	_ =	shalt  }
0x41: {  	_ =	shalt  }
0x42: {  	_ =	shalt  }
0x43: {  	_ =	shalt  }
0x44: {  	_ =	shalt  }
0x45: {  	_ =	shalt  }
0x46: {  	_ =	shalt  }
0x47: {  	_ =	shalt  }
0x48: {  	_ =	shalt  }
0x49: {  	_ =	shalt  }
0x4a: {  	_ =	shalt  }
0x4b: {  	_ =	shalt  }
0x4c: {  	_ =	shalt  }
0x4d: {  	_ =	shalt  }
0x4e: {  	_ =	shalt  }
0x4f: {  	_ =	shalt  }
0x50: {  	_ =	shalt  }
0x51: {  	_ =	shalt  }
0x52: {  	_ =	shalt  }
0x53: {  	_ =	shalt  }
0x54: {  	_ =	shalt  }
0x55: {  	_ =	shalt  }
0x56: {  	_ =	shalt  }
0x57: {  	_ =	shalt  }
0x58: {  	_ =	shalt  }
0x59: {  	_ =	shalt  }
0x5a: {  	_ =	shalt  }
0x5b: {  	_ =	shalt  }
0x5c: {  	_ =	shalt  }
0x5d: {  	_ =	shalt  }
0x5e: {  	_ =	shalt  }
0x5f: {  	_ =	shalt  }
0x60: {  	_ =	shalt  }
0x61: {  	_ =	shalt  }
0x62: {  	_ =	shalt  }
0x63: {  	_ =	shalt  }
0x64: {  	_ =	shalt  }
0x65: {  	_ =	shalt  }
0x66: {  	_ =	shalt  }
0x67: {  	_ =	shalt  }
0x68: {  	_ =	shalt  }
0x69: {  	_ =	shalt  }
0x6a: {  	_ =	shalt  }
0x6b: {  	_ =	shalt  }
0x6c: {  	_ =	shalt  }
0x6d: {  	_ =	shalt  }
0x6e: {  	_ =	shalt  }
0x6f: {  	_ =	shalt  }
0x70: {  	_ =	shalt  }
0x71: {  	_ =	shalt  }
0x72: {  	_ =	shalt  }
0x73: {  	_ =	shalt  }
0x74: {  	_ =	shalt  }
0x75: {  	_ =	shalt  }
0x76: {  	_ =	shalt  }
0x77: {  	_ =	shalt  }
0x78: {  	_ =	shalt  }
0x79: {  	_ =	shalt  }
0x7a: {  	_ =	shalt  }
0x7b: {  	_ =	shalt  }
0x7c: {  	_ =	shalt  }
0x7d: {  	_ =	shalt  }
0x7e: {  	_ =	shalt  }
0x7f: {  	_ =	shalt  }
0x80: {  	_ =	shalt  }
0x81: {  	_ =	shalt  }
0x82: {  	_ =	shalt  }
0x83: {  	_ =	shalt  }
0x84: {  	_ =	shalt  }
0x85: {  	_ =	shalt  }
0x86: {  	_ =	shalt  }
0x87: {  	_ =	shalt  }
.Lfunc_end0:
.L_simem_size_0:
called_computation_lowered:
.L_overlay_start_0:
0x88: {  	s2 =	sld [smem:$0x3FD9]  }
0x89: {  	s3 =	sld [smem:$0x3FFE];
	_ =	sdelay $0x1  }
0x8a: {  	s1 =	srdreg.scid  }
0x8b: {  	s0 =	sand.u32 $0x1, s1  }
0x8c: {  	s18 =	sshll.u32 s0, $0xA;
	s2 =	sadd.s32 s3, s2  }
0x8d: {  	s2 =	sadd.s32 s2, s18  }
0x8e: {  	[smem:$0x3FC6] =	sst s2  }
0x8f: {  	_ = 	snop  }
0x90: {  	s2 =	sld [smem:$0x3FC8]  }
0x91: {  	s19 =	sld [smem:$0x3FD0];
	(tm) =	ssettm $0x1  }
0x92: {  	s4 =	sld [smem:$0x3FFB];
	_ =	sdelay $0x3  }
0x93: {  	_ =	strace s4  }
0x94: {  	s4 =	sld [smem:$0x3FFC];
	_ =	sdelay $0x3  }
0x95: {  	_ =	strace s4  }
0x96: {  	s4 =	sld [smem:$0x3FFD];
	_ =	sdelay $0x3  }
0x97: {  	_ =	strace s4  }
0x98: {  	_ =	strace $0x8FFFFFFF  }
0x99: {  	s20 =	sld [smem:$0x3FDB];
	_ =	sdelay $0x1  }
0x9a: {  	s5 =	simm.s32 $_scs_section_size  }
0x9b: {  	s6 =	simm.s32 $_size__tile_overlayer_lowered;
	s7 =	simm.s32 $_tile_overlayer_lowered  }
0x9c: {  	s23 =	simm.s32 $0x1BFF;
	s22 =	sshll.u32 s7, $0x1;
	s4 =	sadd.s32 s5, s20  }
0x9d: {  	s8 =	simm.s32 $0x0;
	s21 =	sshll.u32 s6, $0x1;
	s6 =	sadd.s32 s22, s4  }
0x9e: {  	[timem:s8], [sflag:s23] =	dma.local [hbm:s6], s21  }
0x9f: {  	_ =	swait.ge [sflag:s23], s21  }
0xa0: {  	s5 =	ssub.s32 $0x0, s21;
	[sflag:s23] =	ssyncset.done $0x0  }
0xa1: {  	[sflag:s23] =	ssyncadd.s32 s5;
	_ =	sdelay $0x1  }
0xa2: {  	s24 =	simm.s32 $0x1B8B  }
0xa3: {  	_ =	swait.ge [sflag:s24], $0x1  }
0xa4: {  	[sflag:s24] =	ssyncset.done $0x0  }
0xa5: {  	s25 =	simm.s32 $0x1B8E;
	[sflag:s24] =	ssyncadd.s32 $0xFFFFFFFF  }
0xa6: {  	s26 =	simm.s32 $execute0_lowered;
	[smem:$0x3FD2] =	sst s25  }
0xa7: {  	s5 =	sshll.u32 s26, $0x1;
	_ =	strace $0x80000046;
	[dreg:$0x1] =	wrdreg $0xFFFFFFFF  }
0xa8: {  	s28 =	simm.s32 $_size_execute0_lowered;
	s4 =	sadd.s32 s4, s5;
	[dreg:$0x0] =	wrdreg $0x0  }
0xa9: {  	s5 =	sshll.u32 s28, $0x1;
	[dreg:$0x2] =	wrdreg s4  }
0xaa: {  	[dreg:$0x3] =	wrdreg s5  }
0xab: {  	[dreg:$0x4] =	wrdreg $0xC0  }
0xac: {  	_ =	task [dreg:s8], $0x5FFFF  }
0xad: {  	[dreg:$0x1] =	wrdreg $0xFFFFFFFF  }
0xae: {  	[dreg:$0x0] =	wrdreg $0x60  }
0xaf: {  	[dreg:$0x2] =	wrdreg s2  }
0xb0: {  	[dreg:$0x3] =	wrdreg s19  }
0xb1: {  	[dreg:$0x4] =	wrdreg $0x9  }
0xb2: {  	_ =	task.clear_ibuf [dreg:s8], $0x5FFFF;
	_ =	strace $0x90000046  }
0xb3: {  	s29 =	simm.s32 $0x9;
	_ =	strace $0x80000048  }
0xb4: {  	_ =	swait.ge [sflag:s29], $0x1  }
0xb5: {  	[sflag:s29] =	ssyncadd.s32 $0xFFFFFFFF  }
0xb6: {  	_ =	strace $0x90000048  }
0xb7: {  	_ =	sfence  }
0xb8: {  	s30 =	sld [smem:$0x0];
	_ =	sdelay $0x2  }
0xb9: {  	s31 =	sshll.u32 s1, $0xD;
	s1 =	sshrl.u32 s1, $0x2  }
0xba: {  	s3 =	sand.u32 $0x4000, s31;
	s1 =	sadd.s32 s1, s30  }
0xbb: {  	s0 =	sor.u32 s3, s0;
	s1 =	sshll.u32 s1, $0x11  }
0xbc: {  	s0 =	sor.u32 s1, s0  }
0xbd: {  	s0 =	sadd.s32 $0x8F2B, s0  }
0xbe: {  	[sflag:s0] =	ssyncadd.remote.s32 $0x1  }
0xbf: {  	_ =	sfence.sel $0xFFFF  }
0xc0: {  	[dreg:$0x0] =	wrdreg $0xFFFFFFFF;
	(pc) =	sbr.abs _section_cstart, $3  }
0xc1: {  	[dreg:$0x1] =	wrdreg $0xFFFFFFFF  }
0xc2: {  	_ =	task.clear_ibuf [dreg:s8], $0x2FFFF;
	_ =	strace $0x9FFFFFFF  }
0xc3: {  	(tm) =	ssettm $0x7FFFFFFF  }
tec
execute0_lowered:
.L_overlay_start_1:
0x0: {  	(tag) =	ssettag $0x1  }
0x1: {  	v0 =	vimm.s32 $0xB80;
	vm11 =	vcmask $0x300  }
0x2: {  	v1 =	vimm.s32 $0x1B80;
	vm12 =	vcmask $0x704;
	vm13 =	vcmask $0xB08  }
0x3: {  	vm14 =	vcmask $0xF0C;
	vm10 =	vcmask $0x1310;
	vm9 =	vcmask $0x1714  }
0x4: {  	vm8 =	vcmask $0x1B18;
	vm7 =	vcmask $0x1F1C;
	vm6 =	vcmask $0x2320  }
0x5: {  	vm5 =	vcmask $0x2724;
	vm4 =	vcmask $0x2B28;
	vm3 =	vcmask $0x2F2C  }
0x6: {  	vm2 =	vcmask $0x3330;
	vm0 =	vcmask $0x3734;
	vm1 =	vcmask $0x3B38  }
0x7: {  	v2 =	vimm.s32 $0x2B80;
	v3 =	vimm.s32 $0x3B80;
	v4 =	vimm.s32 $0x4B80  }
0x8: {  	v5 =	vimm.s32 $0x5B80;
	v6 =	vimm.s32 $0x6B80;
	v7 =	vimm.s32 $0x7B80  }
0x9: {  	v0 =	vsel vm11, $0x0, v0;
	v1 =	vsel vm11, $0x1000, v1;
	v2 =	vsel vm11, $0x2000, v2  }
0xa: {  	v3 =	vsel vm11, $0x3000, v3;
	v4 =	vsel vm11, $0x4000, v4;
	v5 =	vsel vm11, $0x5000, v5  }
0xb: {  	v6 =	vsel vm11, $0x6000, v6;
	v7 =	vsel vm11, $0x7000, v7;
	v0 =	vsel vm12, $0x80, v0  }
0xc: {  	v1 =	vsel vm12, $0x1080, v1;
	v2 =	vsel vm12, $0x2080, v2;
	v3 =	vsel vm12, $0x3080, v3  }
0xd: {  	v4 =	vsel vm12, $0x4080, v4;
	v5 =	vsel vm12, $0x5080, v5;
	v6 =	vsel vm12, $0x6080, v6  }
0xe: {  	v7 =	vsel vm12, $0x7080, v7;
	v0 =	vsel vm13, $0x100, v0;
	v1 =	vsel vm13, $0x1100, v1  }
0xf: {  	v2 =	vsel vm13, $0x2100, v2;
	v3 =	vsel vm13, $0x3100, v3;
	v4 =	vsel vm13, $0x4100, v4  }
0x10: {  	v5 =	vsel vm13, $0x5100, v5;
	v6 =	vsel vm13, $0x6100, v6;
	v7 =	vsel vm13, $0x7100, v7  }
0x11: {  	v0 =	vsel vm14, $0x180, v0;
	v1 =	vsel vm14, $0x1180, v1;
	v2 =	vsel vm14, $0x2180, v2  }
0x12: {  	v3 =	vsel vm14, $0x3180, v3;
	v4 =	vsel vm14, $0x4180, v4;
	v5 =	vsel vm14, $0x5180, v5  }
0x13: {  	v6 =	vsel vm14, $0x6180, v6;
	v7 =	vsel vm14, $0x7180, v7;
	v0 =	vsel vm10, $0x200, v0  }
0x14: {  	v1 =	vsel vm10, $0x1200, v1;
	v2 =	vsel vm10, $0x2200, v2;
	v3 =	vsel vm10, $0x3200, v3  }
0x15: {  	v4 =	vsel vm10, $0x4200, v4;
	v5 =	vsel vm10, $0x5200, v5;
	v6 =	vsel vm10, $0x6200, v6  }
0x16: {  	v7 =	vsel vm10, $0x7200, v7;
	v0 =	vsel vm9, $0x280, v0;
	v1 =	vsel vm9, $0x1280, v1  }
0x17: {  	v2 =	vsel vm9, $0x2280, v2;
	v3 =	vsel vm9, $0x3280, v3;
	v4 =	vsel vm9, $0x4280, v4  }
0x18: {  	v5 =	vsel vm9, $0x5280, v5;
	v6 =	vsel vm9, $0x6280, v6;
	v7 =	vsel vm9, $0x7280, v7  }
0x19: {  	v0 =	vsel vm8, $0x300, v0;
	v1 =	vsel vm8, $0x1300, v1;
	v2 =	vsel vm8, $0x2300, v2  }
0x1a: {  	v3 =	vsel vm8, $0x3300, v3;
	v4 =	vsel vm8, $0x4300, v4;
	v5 =	vsel vm8, $0x5300, v5  }
0x1b: {  	v6 =	vsel vm8, $0x6300, v6;
	v7 =	vsel vm8, $0x7300, v7;
	v0 =	vsel vm7, $0x380, v0  }
0x1c: {  	v1 =	vsel vm7, $0x1380, v1;
	v2 =	vsel vm7, $0x2380, v2;
	v3 =	vsel vm7, $0x3380, v3  }
0x1d: {  	v4 =	vsel vm7, $0x4380, v4;
	v5 =	vsel vm7, $0x5380, v5;
	v6 =	vsel vm7, $0x6380, v6  }
0x1e: {  	v7 =	vsel vm7, $0x7380, v7;
	v0 =	vsel vm6, $0x800, v0;
	v1 =	vsel vm6, $0x1800, v1  }
0x1f: {  	v2 =	vsel vm6, $0x2800, v2;
	v3 =	vsel vm6, $0x3800, v3;
	v4 =	vsel vm6, $0x4800, v4  }
0x20: {  	v5 =	vsel vm6, $0x5800, v5;
	v6 =	vsel vm6, $0x6800, v6;
	v7 =	vsel vm6, $0x7800, v7  }
0x21: {  	v0 =	vsel vm5, $0x880, v0;
	v1 =	vsel vm5, $0x1880, v1;
	v2 =	vsel vm5, $0x2880, v2  }
0x22: {  	v3 =	vsel vm5, $0x3880, v3;
	v4 =	vsel vm5, $0x4880, v4;
	v5 =	vsel vm5, $0x5880, v5  }
0x23: {  	v6 =	vsel vm5, $0x6880, v6;
	v7 =	vsel vm5, $0x7880, v7;
	v0 =	vsel vm4, $0x900, v0  }
0x24: {  	v1 =	vsel vm4, $0x1900, v1;
	v2 =	vsel vm4, $0x2900, v2;
	v3 =	vsel vm4, $0x3900, v3  }
0x25: {  	v4 =	vsel vm4, $0x4900, v4;
	v5 =	vsel vm4, $0x5900, v5;
	v6 =	vsel vm4, $0x6900, v6  }
0x26: {  	s1 =	srdreg.scid;
	s3 =	rddreg [dreg:$0x0];
	v7 =	vsel vm4, $0x7900, v7;
	v0 =	vsel vm3, $0x980, v0;
	v1 =	vsel vm3, $0x1980, v1  }
0x27: {  	s0 =	stileid.u32;
	s5 =	rddreg [dreg:$0x1];
	v2 =	vsel vm3, $0x2980, v2;
	v3 =	vsel vm3, $0x3980, v3;
	v4 =	vsel vm3, $0x4980, v4  }
0x28: {  	s2 =	simm.s32 $0x0;
	s12 =	simm.s32 $0x800;
	s13 =	simm.s32 $0x2000;
	v5 =	vsel vm3, $0x5980, v5;
	v6 =	vsel vm3, $0x6980, v6;
	v7 =	vsel vm3, $0x7980, v7  }
0x29: {  	s14 =	simm.s32 $0x1;
	s15 =	simm.s32 $0x400;
	s16 =	simm.s32 $0x8000;
	v0 =	vsel vm2, $0xA00, v0;
	v1 =	vsel vm2, $0x1A00, v1;
	v2 =	vsel vm2, $0x2A00, v2  }
0x2a: {  	s17 =	simm.s32 $0x0;
	s4 =	sand.u32 $0x1, s1;
	s6 =	sshll.u32 s0, $0x8;
	v3 =	vsel vm2, $0x3A00, v3;
	v4 =	vsel vm2, $0x4A00, v4;
	v5 =	vsel vm2, $0x5A00, v5  }
0x2b: {  	s1 =	rddreg [dreg:$0x2];
	s7 =	sshll.u32 s4, $0x7;
	s4 =	ssub.s32 $0x2, s4;
	v6 =	vsel vm2, $0x6A00, v6;
	v7 =	vsel vm2, $0x7A00, v7;
	v0 =	vsel vm0, $0xA80, v0  }
0x2c: {  	[smem:$0x7FF] =	sst s2;
	s6 =	sor.u32 s7, s6;
	s8 =	sshrl.u32 s4, $0x1;
	v1 =	vsel vm0, $0x1A80, v1;
	v2 =	vsel vm0, $0x2A80, v2;
	v3 =	vsel vm0, $0x3A80, v3  }
0x2d: {  	s7 =	sshll.u32 s6, $0x7;
	s11 =	ssub.s32 s4, s8;
	s4 =	sadd.s32 s5, s6;
	v4 =	vsel vm0, $0x4A80, v4;
	v5 =	vsel vm0, $0x5A80, v5;
	v6 =	vsel vm0, $0x6A80, v6  }
0x2e: {  	_ =	strace $0x80000047;
	s3 =	sadd.s32 s3, s7;
	s6 =	sadd.s32 $0x20000, s4;
	v7 =	vsel vm0, $0x7A80, v7;
	v0 =	vsel vm1, $0xB00, v0;
	v1 =	vsel vm1, $0x1B00, v1  }
0x2f: {  	s8 =	sadd.s32 $0x40000, s4;
	s10 =	sadd.s32 $0x60000, s4;
	s11 =	smax.u32 s11, $0x1;
	v2 =	vsel vm1, $0x2B00, v2;
	v3 =	vsel vm1, $0x3B00, v3;
	v4 =	vsel vm1, $0x4B00, v4  }
0x30: {  	s5 =	sadd.s32 $0x100, s3;
	s7 =	sadd.s32 $0x200, s3;
	s9 =	sadd.s32 $0x300, s3;
	v5 =	vsel vm1, $0x5B00, v5;
	v6 =	vsel vm1, $0x6B00, v6;
	v7 =	vsel vm1, $0x7B00, v7  }
.LBB2_1:
0x31: {  	s18 =	simm.s32 $0x1;
	s26 =	simm.s32 $0x3;
	v9 =	vmov s2;
	s28 =	simm.s32 $0x2  }
0x32: {  	v8 =	vmov s18;
	v11 =	vmov s26;
	v13 =	vmov s28  }
0x33: {  	v10 =	vshll.u32 v8, $0x3;
	v8 =	vand.u32 $0x7D, v8;
	v12 =	vshll.u32 v11, $0x3  }
0x34: {  	v11 =	vand.u32 $0x7F, v11;
	v10 =	vand.u32 $0x400, v10;
	v12 =	vand.u32 $0x400, v12  }
0x35: {  	v16 =	vor.u32 v8, v10;
	v8 =	vshll.u32 v13, $0x3;
	v14 =	vor.u32 v11, v12  }
0x36: {  	v10 =	vand.u32 $0x7E, v13;
	v8 =	vand.u32 $0x400, v8;
	v11 =	vor.u32 v0, v14  }
0x37: {  	[tilespmem:s2], [sflag:$0x1] =	stream.strided.gather [hbm4b:s3+s12], $0x8000, s13, s12, $0x38;
	v12 =	vshll.u32 v9, $0x3;
	v13 =	vor.u32 v0, v16;
	v17 =	vor.u32 v10, v8;
	[tilespmem:$0x10000] =	vst v63  }
0x38: {  	_ =	swait.ge [sflag:s14], $0x8000;
	v8 =	vand.u32 $0x7C, v9;
	v9 =	vand.u32 $0x400, v12;
	v10 =	vor.u32 v0, v17  }
0x39: {  	[sflag:s14] =	ssyncset.done $0x0;
	v12 =	vor.u32 v8, v9  }
0x3a: {  	[sflag:s14] =	ssyncadd.s32 $0xFFFF8000;
	v8 =	vor.u32 v0, v12  }
0x3b: {  	v9 =	vld.idx.msk [tilespmem:v11+s2+$0x0], $0xffff  }
0x3c: {  	v11 =	vld.idx.msk [tilespmem:v13+s2+$0x0], $0xffff;
	v13 =	vor.u32 v1, v14  }
0x3d: {  	v15 =	vor.u32 v1, v16;
	v10 =	vld.idx.msk [tilespmem:v10+s2+$0x0], $0xffff  }
0x3e: {  	v18 =	vor.u32 v1, v17  }
0x3f: {  	s19 =	simm.s32 $0x8100;
	v8 =	vld.idx.msk [tilespmem:v8+s2+$0x0], $0xffff  }
0x40: {  	v19 =	vor.u32 v1, v12;
	[tilespmem:s19+$0x80] =	vst v9  }
0x41: {  	[tilespmem:s19+$0xFFFFFF80] =	vst v11;
	v9 =	vld.idx.msk [tilespmem:v13+s2+$0x0], $0xffff  }
0x42: {  	v11 =	vld.idx.msk [tilespmem:v15+s2+$0x0], $0xffff;
	[tilespmem:s19+$0x0] =	vst v10;
	v10 =	vor.u32 v2, v14  }
0x43: {  	v15 =	vor.u32 v2, v16;
	v13 =	vld.idx.msk [tilespmem:v18+s2+$0x0], $0xffff  }
0x44: {  	[tilespmem:s19+$0xFFFFFF00] =	vst v8;
	v8 =	vor.u32 v2, v17  }
0x45: {  	v18 =	vld.idx.msk [tilespmem:v19+s2+$0x0], $0xffff  }
0x46: {  	s29 =	simm.s32 $0x4;
	v19 =	vor.u32 v2, v12;
	[tilespmem:s19+$0x90] =	vst v9  }
0x47: {  	s30 =	simm.s32 $0x5;
	v9 =	vmov s29;
	[tilespmem:s19+$0xFFFFFF90] =	vst v11;
	v10 =	vld.idx.msk [tilespmem:v10+s2+$0x0], $0xffff  }
0x48: {  	v20 =	vmov s30;
	v11 =	vshll.u32 v9, $0x3;
	v15 =	vld.idx.msk [tilespmem:v15+s2+$0x0], $0xffff;
	[tilespmem:s19+$0x10] =	vst v13;
	v13 =	vor.u32 v3, v14  }
0x49: {  	v22 =	vor.u32 v3, v16;
	v9 =	vand.u32 $0x7C, v9;
	v11 =	vand.u32 $0x400, v11;
	v21 =	vld.idx.msk [tilespmem:v8+s2+$0x0], $0xffff  }
0x4a: {  	v8 =	vor.u32 v9, v11;
	v9 =	vshll.u32 v20, $0x3;
	[tilespmem:s19+$0xFFFFFF10] =	vst v18;
	v11 =	vor.u32 v3, v17  }
0x4b: {  	v20 =	vand.u32 $0x7D, v20;
	v18 =	vor.u32 v0, v8;
	v9 =	vand.u32 $0x400, v9;
	v19 =	vld.idx.msk [tilespmem:v19+s2+$0x0], $0xffff  }
0x4c: {  	s31 =	simm.s32 $0x7;
	v9 =	vor.u32 v20, v9;
	v20 =	vor.u32 v3, v12;
	[tilespmem:s19+$0xA0] =	vst v10  }
0x4d: {  	s20 =	simm.s32 $0x6;
	v10 =	vor.u32 v0, v9;
	[tilespmem:s19+$0xFFFFFFA0] =	vst v15;
	v15 =	vld.idx.msk [tilespmem:v13+s2+$0x0], $0xffff;
	v13 =	vmov s31  }
0x4e: {  	v23 =	vmov s20;
	v22 =	vld.idx.msk [tilespmem:v22+s2+$0x0], $0xffff;
	[tilespmem:s19+$0x20] =	vst v21;
	v21 =	vor.u32 v4, v14;
	v24 =	vshll.u32 v13, $0x3  }
0x4f: {  	v25 =	vor.u32 v4, v16;
	v13 =	vand.u32 $0x7F, v13;
	v11 =	vld.idx.msk [tilespmem:v11+s2+$0x0], $0xffff;
	v24 =	vand.u32 $0x400, v24  }
0x50: {  	v26 =	vshll.u32 v23, $0x3;
	v18 =	vld.idx.msk [tilespmem:v18+s2+$0x0], $0xffff;
	[tilespmem:s19+$0xFFFFFF20] =	vst v19;
	v19 =	vor.u32 v4, v17;
	v13 =	vor.u32 v13, v24  }
0x51: {  	v23 =	vand.u32 $0x7E, v23;
	v20 =	vld.idx.msk [tilespmem:v20+s2+$0x0], $0xffff;
	v24 =	vand.u32 $0x400, v26;
	v26 =	vor.u32 v0, v13  }
0x52: {  	s20 =	simm.s32 $0x8;
	v27 =	vld.idx.msk [tilespmem:v10+s2+$0x0], $0xffff;
	v10 =	vor.u32 v23, v24;
	[tilespmem:s19+$0xB0] =	vst v15;
	v15 =	vor.u32 v4, v12  }
0x53: {  	[tilespmem:s19+$0xFFFFFFB0] =	vst v22;
	v22 =	vmov s20;
	v23 =	vor.u32 v0, v10;
	v21 =	vld.idx.msk [tilespmem:v21+s2+$0x0], $0xffff  }
0x54: {  	v24 =	vld.idx.msk [tilespmem:v25+s2+$0x0], $0xffff;
	v25 =	vor.u32 v5, v14;
	[tilespmem:s19+$0x30] =	vst v11;
	v11 =	vshll.u32 v22, $0x3  }
0x55: {  	v28 =	vor.u32 v5, v16;
	v22 =	vand.u32 $0x7C, v22;
	v19 =	vld.idx.msk [tilespmem:v19+s2+$0x0], $0xffff;
	v11 =	vand.u32 $0x400, v11  }
0x56: {  	s18 =	simm.s32 $0x8300;
	[tilespmem:s19+$0xFFFFFF30] =	vst v20;
	v11 =	vor.u32 v22, v11;
	v20 =	vld.idx.msk [tilespmem:v26+s2+$0x0], $0xffff;
	v22 =	vor.u32 v5, v17  }
0x57: {  	[tilespmem:s18+$0xFFFFFF80] =	vst v27;
	v26 =	vor.u32 v0, v11;
	v29 =	vld.idx.msk [tilespmem:v15+s2+$0x0], $0xffff  }
0x58: {  	v30 =	vor.u32 v1, v13;
	v23 =	vld.idx.msk [tilespmem:v23+s2+$0x0], $0xffff;
	[tilespmem:s19+$0xC0] =	vst v21  }
0x59: {  	v21 =	vor.u32 v1, v9;
	[tilespmem:s19+$0xFFFFFFC0] =	vst v24;
	v24 =	vld.idx.msk [tilespmem:v25+s2+$0x0], $0xffff  }
0x5a: {  	v27 =	vor.u32 v5, v12;
	v28 =	vld.idx.msk [tilespmem:v28+s2+$0x0], $0xffff;
	[tilespmem:s19+$0x40] =	vst v19  }
0x5b: {  	v25 =	vor.u32 v1, v10;
	v19 =	vld.idx.msk [tilespmem:v22+s2+$0x0], $0xffff  }
0x5c: {  	v22 =	vor.u32 v6, v14;
	[tilespmem:s18+$0x80] =	vst v20;
	v15 =	vld.idx.msk [tilespmem:v26+s2+$0x0], $0xffff  }
0x5d: {  	v26 =	vor.u32 v1, v8;
	v20 =	vld.idx.msk [tilespmem:v30+s2+$0x0], $0xffff;
	[tilespmem:s18+$0x0] =	vst v23  }
0x5e: {  	v23 =	vor.u32 v6, v16;
	[tilespmem:s19+$0xFFFFFF40] =	vst v29;
	v21 =	vld.idx.msk [tilespmem:v21+s2+$0x0], $0xffff  }
0x5f: {  	v30 =	vor.u32 v2, v13;
	v27 =	vld.idx.msk [tilespmem:v27+s2+$0x0], $0xffff  }
0x60: {  	v25 =	vld.idx.msk [tilespmem:v25+s2+$0x0], $0xffff;
	[tilespmem:s19+$0xD0] =	vst v24;
	v24 =	vor.u32 v2, v9  }
0x61: {  	v31 =	vor.u32 v2, v10;
	[tilespmem:s18+$0xFFFFFF00] =	vst v18;
	v22 =	vld.idx.msk [tilespmem:v22+s2+$0x0], $0xffff  }
0x62: {  	v14 =	vor.u32 v7, v14;
	[tilespmem:s19+$0xFFFFFFD0] =	vst v28;
	v26 =	vld.idx.msk [tilespmem:v26+s2+$0x0], $0xffff  }
0x63: {  	[tilespmem:s18+$0x90] =	vst v20;
	v18 =	vld.idx.msk [tilespmem:v23+s2+$0x0], $0xffff  }
0x64: {  	v28 =	vor.u32 v2, v8;
	[tilespmem:s18+$0xFFFFFF90] =	vst v21;
	v20 =	vld.idx.msk [tilespmem:v30+s2+$0x0], $0xffff  }
0x65: {  	s21 =	simm.s32 $0x9;
	v21 =	vor.u32 v6, v17;
	v23 =	vld.idx.msk [tilespmem:v24+s2+$0x0], $0xffff;
	[tilespmem:s18+$0x10] =	vst v25  }
0x66: {  	v29 =	vor.u32 v6, v12;
	v30 =	vld.idx.msk [tilespmem:v31+s2+$0x0], $0xffff;
	[tilespmem:s19+$0xE0] =	vst v22;
	v22 =	vmov s21  }
0x67: {  	[tilespmem:s19+$0x50] =	vst v19;
	v31 =	vor.u32 v3, v13;
	v25 =	vld.idx.msk [tilespmem:v14+s2+$0x0], $0xffff;
	v14 =	vshll.u32 v22, $0x3  }
0x68: {  	v32 =	vor.u32 v3, v9;
	[tilespmem:s18+$0xFFFFFF10] =	vst v26;
	v19 =	vand.u32 $0x7D, v22;
	v14 =	vand.u32 $0x400, v14  }
0x69: {  	[tilespmem:s19+$0xFFFFFF50] =	vst v27;
	v24 =	vld.idx.msk [tilespmem:v28+s2+$0x0], $0xffff;
	v28 =	vor.u32 v3, v10;
	v14 =	vor.u32 v19, v14  }
0x6a: {  	v21 =	vld.idx.msk [tilespmem:v21+s2+$0x0], $0xffff;
	[tilespmem:s18+$0xA0] =	vst v20;
	v20 =	vor.u32 v0, v14  }
0x6b: {  	v27 =	vor.u32 v3, v8;
	v19 =	vld.idx.msk [tilespmem:v29+s2+$0x0], $0xffff  }
0x6c: {  	v26 =	vor.u32 v7, v16;
	[tilespmem:s18+$0xFFFFFFA0] =	vst v23;
	v22 =	vld.idx.msk [tilespmem:v31+s2+$0x0], $0xffff  }
0x6d: {  	s22 =	simm.s32 $0xB;
	v17 =	vor.u32 v7, v17;
	s21 =	simm.s32 $0xC;
	v23 =	vld.idx.msk [tilespmem:v32+s2+$0x0], $0xffff;
	[tilespmem:s18+$0x20] =	vst v30  }
.LBB2_2:
0x6e: {  	p0 =	slt.u32 s21, $0xFC;
	s23 =	sadd.s32 $0x2, s20;
	v16 =	vmov s22;
	v28 =	vld.idx.msk [tilespmem:v28+s2+$0x0], $0xffff;
	v29 =	vor.u32 v4, v13;
	[tilespmem:s19+$0xF0] =	vst v25;
	s20 =	smov.u32 s21  }
0x6f: {  	v20 =	vld.idx.msk [tilespmem:v20+s2+$0x0], $0xffff;
	v25 =	vmov s23;
	v30 =	vshll.u32 v16, $0x3;
	[tilespmem:s18+$0xFFFFFF20] =	vst v24;
	v24 =	vor.u32 v4, v9  }
0x70: {  	v31 =	vor.u32 v4, v10;
	v16 =	vand.u32 $0x7F, v16;
	v30 =	vand.u32 $0x400, v30;
	v27 =	vld.idx.msk [tilespmem:v27+s2+$0x0], $0xffff;
	[tilespmem:s19+$0xFFFFFFE0] =	vst v18  }
0x71: {  	v18 =	vshll.u32 v25, $0x3;
	v16 =	vor.u32 v16, v30;
	v30 =	vor.u32 v7, v12;
	v26 =	vld.idx.msk [tilespmem:v26+s2+$0x0], $0xffff;
	[tilespmem:s19+$0x60] =	vst v21  }
0x72: {  	v21 =	vand.u32 $0x7E, v25;
	v18 =	vand.u32 $0x400, v18;
	v12 =	vmovc v8;
	v25 =	vor.u32 v0, v16;
	[tilespmem:s18+$0xB0] =	vst v22;
	v17 =	vld.idx.msk [tilespmem:v17+s2+$0x0], $0xffff  }
0x73: {  	v8 =	vmov v11;
	v32 =	vor.u32 v21, v18;
	v18 =	vor.u32 v4, v12;
	[tilespmem:s18+$0xFFFFFFB0] =	vst v23;
	v21 =	vld.idx.msk [tilespmem:v29+s2+$0x0], $0xffff  }
0x74: {  	v11 =	vmov s21;
	v22 =	vor.u32 v0, v32;
	v23 =	vld.idx.msk [tilespmem:v24+s2+$0x0], $0xffff;
	[tilespmem:s18+$0x30] =	vst v28  }
0x75: {  	v29 =	vor.u32 v5, v13;
	v24 =	vshll.u32 v11, $0x3;
	v28 =	vld.idx.msk [tilespmem:v31+s2+$0x0], $0xffff;
	[tilespmem:s19+$0xFFFFFF60] =	vst v19  }
0x76: {  	v11 =	vand.u32 $0x7C, v11;
	v19 =	vand.u32 $0x400, v24;
	v24 =	vor.u32 v5, v9;
	[tilespmem:s18+$0xFFFFFF30] =	vst v27;
	v27 =	vld.idx.msk [tilespmem:v30+s2+$0x0], $0xffff  }
0x77: {  	v11 =	vor.u32 v11, v19;
	v19 =	vld.idx.msk [tilespmem:v25+s2+$0x0], $0xffff;
	v25 =	vor.u32 v5, v10;
	[tilespmem:s19+$0xFFFFFFF0] =	vst v26  }
0x78: {  	v26 =	vor.u32 v0, v11;
	v18 =	vld.idx.msk [tilespmem:v18+s2+$0x0], $0xffff;
	[tilespmem:s19+$0x70] =	vst v17  }
0x79: {  	v17 =	vld.idx.msk [tilespmem:v22+s2+$0x0], $0xffff;
	v22 =	vor.u32 v1, v16;
	[tilespmem:s18+$0xC0] =	vst v21  }
0x7a: {  	v21 =	vor.u32 v1, v14;
	[tilespmem:s18+$0xFFFFFFC0] =	vst v23;
	v23 =	vld.idx.msk [tilespmem:v29+s2+$0x0], $0xffff  }
0x7b: {  	v29 =	vor.u32 v1, v32;
	v24 =	vld.idx.msk [tilespmem:v24+s2+$0x0], $0xffff;
	[tilespmem:s18+$0x40] =	vst v28  }
0x7c: {  	v30 =	vld.idx.msk [tilespmem:v25+s2+$0x0], $0xffff;
	v25 =	vor.u32 v6, v13;
	[tilespmem:s19+$0xFFFFFF70] =	vst v27;
	s19 =	smov.u32 s18;
	s18 =	sadd.s32 $0x200, s18  }
0x7d: {  	v27 =	vor.u32 v1, v8;
	v26 =	vld.idx.msk [tilespmem:v26+s2+$0x0], $0xffff;
	[tilespmem:s18+$0x80] =	vst v19  }
0x7e: {  	[tilespmem:s18+$0xFFFFFF80] =	vst v20;
	v19 =	vld.idx.msk [tilespmem:v22+s2+$0x0], $0xffff;
	v20 =	vor.u32 v5, v12  }
0x7f: {  	v21 =	vld.idx.msk [tilespmem:v21+s2+$0x0], $0xffff;
	[tilespmem:s18+$0x0] =	vst v17;
	v17 =	vor.u32 v6, v9  }
0x80: {  	v28 =	vor.u32 v2, v16;
	v22 =	vld.idx.msk [tilespmem:v29+s2+$0x0], $0xffff;
	[tilespmem:s19+$0xD0] =	vst v23  }
0x81: {  	v23 =	vor.u32 v2, v14;
	[tilespmem:s18+$0xFFFFFF00] =	vst v15;
	v25 =	vld.idx.msk [tilespmem:v25+s2+$0x0], $0xffff  }
0x82: {  	v29 =	vor.u32 v2, v32;
	v27 =	vld.idx.msk [tilespmem:v27+s2+$0x0], $0xffff;
	[tilespmem:s19+$0xFFFFFF40] =	vst v18  }
0x83: {  	v15 =	vmov v26;
	v31 =	vld.idx.msk [tilespmem:v20+s2+$0x0], $0xffff;
	[tilespmem:s19+$0xFFFFFFD0] =	vst v24;
	v20 =	vor.u32 v7, v13;
	v13 =	vmov v16  }
0x84: {  	v16 =	vor.u32 v2, v8;
	[tilespmem:s18+$0x90] =	vst v19;
	v18 =	vld.idx.msk [tilespmem:v17+s2+$0x0], $0xffff  }
0x85: {  	s22 =	sadd.s32 $0x1, s21;
	v19 =	vor.u32 v6, v10;
	[tilespmem:s18+$0xFFFFFF90] =	vst v21;
	v17 =	vld.idx.msk [tilespmem:v28+s2+$0x0], $0xffff  }
0x86: {  	v21 =	vmov s22;
	v23 =	vld.idx.msk [tilespmem:v23+s2+$0x0], $0xffff;
	[tilespmem:s18+$0x10] =	vst v22;
	v22 =	vor.u32 v6, v12  }
0x87: {  	v26 =	vor.u32 v3, v13;
	v24 =	vshll.u32 v21, $0x3;
	v29 =	vld.idx.msk [tilespmem:v29+s2+$0x0], $0xffff;
	[tilespmem:s19+$0xE0] =	vst v25  }
0x88: {  	v33 =	vor.u32 v3, v14;
	v21 =	vand.u32 $0x7D, v21;
	v24 =	vand.u32 $0x400, v24;
	[tilespmem:s18+$0xFFFFFF10] =	vst v27;
	v25 =	vld.idx.msk [tilespmem:v20+s2+$0x0], $0xffff  }
.Ltmp0:
0x89: {  	v28 =	vor.u32 v3, v32;
	v34 =	vor.u32 v21, v24;
	v24 =	vld.idx.msk [tilespmem:v16+s2+$0x0], $0xffff;
	[tilespmem:s19+$0x50] =	vst v30;
	(pc) =	sbr.rel @p0 .LBB2_2-.Ltmp0, $4  }
0x8a: {  	v20 =	vor.u32 v0, v34;
	[tilespmem:s19+$0xFFFFFF50] =	vst v31;
	v21 =	vld.idx.msk [tilespmem:v19+s2+$0x0], $0xffff  }
0x8b: {  	v27 =	vor.u32 v3, v8;
	[tilespmem:s18+$0xA0] =	vst v17;
	v19 =	vld.idx.msk [tilespmem:v22+s2+$0x0], $0xffff  }
0x8c: {  	[tilespmem:s18+$0xFFFFFFA0] =	vst v23;
	v22 =	vld.idx.msk [tilespmem:v26+s2+$0x0], $0xffff;
	v26 =	vor.u32 v7, v9;
	v9 =	vmov v14;
	v14 =	vmov v34  }
0x8d: {  	s21 =	sadd.s32 $0x4, s21;
	s22 =	sadd.s32 $0x3, s20;
	v17 =	vor.u32 v7, v10;
	v10 =	vmov v32;
	v23 =	vld.idx.msk [tilespmem:v33+s2+$0x0], $0xffff;
	[tilespmem:s18+$0x20] =	vst v29  }
0x8e: {  	_ =	sdelay $0x2  }
0x8f: {  	v16 =	vmov s22;
	[tilespmem:s19+$0xF0] =	vst v25  }
0x90: {  	s20 =	sadd.s32 $0x2, s20;
	v25 =	vld.idx.msk [tilespmem:v28+s2+$0x0], $0xffff;
	v28 =	vor.u32 v4, v13;
	[tilespmem:s18+$0xFFFFFF20] =	vst v24;
	v24 =	vor.u32 v4, v9;
	v30 =	vshll.u32 v16, $0x3  }
0x91: {  	[tilespmem:s19+$0xFFFFFFE0] =	vst v18;
	v29 =	vmov s20;
	v16 =	vand.u32 $0x7F, v16;
	v30 =	vand.u32 $0x400, v30  }
0x92: {  	v18 =	vld.idx.msk [tilespmem:v27+s2+$0x0], $0xffff;
	v27 =	vor.u32 v4, v10;
	[tilespmem:s19+$0x60] =	vst v21;
	v31 =	vshll.u32 v29, $0x3;
	v16 =	vor.u32 v16, v30  }
0x93: {  	v21 =	vld.idx.msk [tilespmem:v26+s2+$0x0], $0xffff;
	v26 =	vand.u32 $0x7E, v29;
	[tilespmem:s19+$0xFFFFFF60] =	vst v19;
	v29 =	vand.u32 $0x400, v31;
	v30 =	vor.u32 v0, v16  }
0x94: {  	[tilespmem:s18+$0xB0] =	vst v22;
	v22 =	vld.idx.msk [tilespmem:v17+s2+$0x0], $0xffff;
	v17 =	vor.u32 v26, v29  }
0x95: {  	[tilespmem:s18+$0xFFFFFFB0] =	vst v23;
	v23 =	vld.idx.msk [tilespmem:v28+s2+$0x0], $0xffff;
	v26 =	vor.u32 v0, v17  }
0x96: {  	[tilespmem:s18+$0x30] =	vst v25;
	v24 =	vld.idx.msk [tilespmem:v24+s2+$0x0], $0xffff  }
0x97: {  	v12 =	vor.u32 v7, v12;
	v19 =	vld.idx.msk [tilespmem:v27+s2+$0x0], $0xffff;
	[tilespmem:s18+$0xFFFFFF30] =	vst v18  }
0x98: {  	v18 =	vor.u32 v5, v13;
	[tilespmem:s19+$0xFFFFFFF0] =	vst v21;
	v25 =	vld.idx.msk [tilespmem:v30+s2+$0x0], $0xffff  }
0x99: {  	v20 =	vld.idx.msk [tilespmem:v20+s2+$0x0], $0xffff;
	v21 =	vor.u32 v1, v16;
	[tilespmem:s19+$0x70] =	vst v22  }
0x9a: {  	v22 =	vld.idx.msk [tilespmem:v26+s2+$0x0], $0xffff;
	[tilespmem:s18+$0xC0] =	vst v23;
	v23 =	vor.u32 v1, v14  }
0x9b: {  	[tilespmem:s18+$0xFFFFFFC0] =	vst v24;
	v24 =	vor.u32 v1, v17  }
0x9c: {  	s22 =	sadd.s32 $0x200, s18;
	v12 =	vld.idx.msk [tilespmem:v12+s2+$0x0], $0xffff;
	[tilespmem:s18+$0x40] =	vst v19;
	v19 =	vor.u32 v1, v11  }
0x9d: {  	v26 =	vor.u32 v4, v8;
	v18 =	vld.idx.msk [tilespmem:v18+s2+$0x0], $0xffff;
	[tilespmem:s22+$0x80] =	vst v25  }
0x9e: {  	[tilespmem:s22+$0xFFFFFF80] =	vst v20;
	v25 =	vor.u32 v5, v9;
	v20 =	vld.idx.msk [tilespmem:v21+s2+$0x0], $0xffff  }
0x9f: {  	v21 =	vld.idx.msk [tilespmem:v23+s2+$0x0], $0xffff;
	[tilespmem:s22+$0x0] =	vst v22;
	v22 =	vor.u32 v2, v16  }
0xa0: {  	[tilespmem:s22+$0xFFFFFF00] =	vst v15;
	v15 =	vor.u32 v2, v14;
	v23 =	vld.idx.msk [tilespmem:v24+s2+$0x0], $0xffff  }
0xa1: {  	[tilespmem:s19+$0xFFFFFF70] =	vst v12;
	v12 =	vld.idx.msk [tilespmem:v19+s2+$0x0], $0xffff;
	v19 =	vor.u32 v2, v17  }
0xa2: {  	v24 =	vld.idx.msk [tilespmem:v26+s2+$0x0], $0xffff;
	[tilespmem:s18+$0xD0] =	vst v18;
	v18 =	vor.u32 v2, v11  }
0xa3: {  	v26 =	vor.u32 v6, v13;
	v25 =	vld.idx.msk [tilespmem:v25+s2+$0x0], $0xffff;
	[tilespmem:s22+$0x90] =	vst v20  }
0xa4: {  	v20 =	vor.u32 v5, v10;
	[tilespmem:s22+$0xFFFFFF90] =	vst v21;
	v21 =	vld.idx.msk [tilespmem:v22+s2+$0x0], $0xffff  }
0xa5: {  	v15 =	vld.idx.msk [tilespmem:v15+s2+$0x0], $0xffff;
	[tilespmem:s22+$0x10] =	vst v23;
	v22 =	vor.u32 v3, v16  }
0xa6: {  	[tilespmem:s22+$0xFFFFFF10] =	vst v12;
	v12 =	vor.u32 v3, v14;
	v19 =	vld.idx.msk [tilespmem:v19+s2+$0x0], $0xffff  }
0xa7: {  	[tilespmem:s18+$0xFFFFFF40] =	vst v24;
	v23 =	vor.u32 v3, v17;
	v18 =	vld.idx.msk [tilespmem:v18+s2+$0x0], $0xffff  }
0xa8: {  	v24 =	vld.idx.msk [tilespmem:v26+s2+$0x0], $0xffff;
	[tilespmem:s18+$0xFFFFFFD0] =	vst v25;
	v25 =	vor.u32 v3, v11  }
0xa9: {  	v26 =	vor.u32 v5, v8;
	v20 =	vld.idx.msk [tilespmem:v20+s2+$0x0], $0xffff;
	[tilespmem:s22+$0xA0] =	vst v21  }
0xaa: {  	v13 =	vor.u32 v7, v13;
	[tilespmem:s22+$0xFFFFFFA0] =	vst v15;
	v15 =	vld.idx.msk [tilespmem:v22+s2+$0x0], $0xffff  }
0xab: {  	v12 =	vld.idx.msk [tilespmem:v12+s2+$0x0], $0xffff;
	[tilespmem:s22+$0x20] =	vst v19;
	v19 =	vor.u32 v4, v16  }
0xac: {  	[tilespmem:s22+$0xFFFFFF20] =	vst v18;
	v18 =	vor.u32 v4, v14;
	v21 =	vld.idx.msk [tilespmem:v23+s2+$0x0], $0xffff  }
0xad: {  	[tilespmem:s18+$0xE0] =	vst v24;
	v23 =	vor.u32 v4, v17;
	v22 =	vld.idx.msk [tilespmem:v25+s2+$0x0], $0xffff  }
0xae: {  	v24 =	vld.idx.msk [tilespmem:v26+s2+$0x0], $0xffff;
	[tilespmem:s18+$0x50] =	vst v20;
	v20 =	vor.u32 v4, v11  }
0xaf: {  	v13 =	vld.idx.msk [tilespmem:v13+s2+$0x0], $0xffff;
	v25 =	vor.u32 v6, v9;
	[tilespmem:s22+$0xB0] =	vst v15  }
0xb0: {  	v15 =	vor.u32 v6, v10;
	[tilespmem:s22+$0xFFFFFFB0] =	vst v12;
	v12 =	vld.idx.msk [tilespmem:v19+s2+$0x0], $0xffff  }
0xb1: {  	v18 =	vld.idx.msk [tilespmem:v18+s2+$0x0], $0xffff;
	[tilespmem:s22+$0x30] =	vst v21;
	v19 =	vor.u32 v5, v16  }
0xb2: {  	v21 =	vld.idx.msk [tilespmem:v23+s2+$0x0], $0xffff;
	[tilespmem:s22+$0xFFFFFF30] =	vst v22;
	v22 =	vor.u32 v5, v14  }
0xb3: {  	[tilespmem:s18+$0xFFFFFF50] =	vst v24;
	v23 =	vor.u32 v5, v17;
	v20 =	vld.idx.msk [tilespmem:v20+s2+$0x0], $0xffff  }
0xb4: {  	[tilespmem:s18+$0xF0] =	vst v13;
	v13 =	vor.u32 v5, v11;
	v24 =	vld.idx.msk [tilespmem:v25+s2+$0x0], $0xffff  }
0xb5: {  	v25 =	vor.u32 v6, v8;
	v15 =	vld.idx.msk [tilespmem:v15+s2+$0x0], $0xffff;
	[tilespmem:s22+$0xC0] =	vst v12  }
0xb6: {  	v9 =	vor.u32 v7, v9;
	[tilespmem:s22+$0xFFFFFFC0] =	vst v18;
	v12 =	vld.idx.msk [tilespmem:v19+s2+$0x0], $0xffff  }
0xb7: {  	v18 =	vld.idx.msk [tilespmem:v22+s2+$0x0], $0xffff;
	[tilespmem:s22+$0x40] =	vst v21;
	v19 =	vor.u32 v6, v16  }
0xb8: {  	v22 =	vor.u32 v6, v14;
	v21 =	vld.idx.msk [tilespmem:v23+s2+$0x0], $0xffff;
	[tilespmem:s22+$0xFFFFFF40] =	vst v20  }
0xb9: {  	[tilespmem:s18+$0xFFFFFFE0] =	vst v24;
	v20 =	vor.u32 v6, v17;
	v13 =	vld.idx.msk [tilespmem:v13+s2+$0x0], $0xffff  }
0xba: {  	v23 =	vld.idx.msk [tilespmem:v25+s2+$0x0], $0xffff;
	[tilespmem:s18+$0x60] =	vst v15;
	v15 =	vor.u32 v6, v11  }
0xbb: {  	v10 =	vor.u32 v7, v10;
	v9 =	vld.idx.msk [tilespmem:v9+s2+$0x0], $0xffff;
	[tilespmem:s22+$0xD0] =	vst v12  }
0xbc: {  	v8 =	vor.u32 v7, v8;
	[tilespmem:s22+$0xFFFFFFD0] =	vst v18;
	v12 =	vld.idx.msk [tilespmem:v19+s2+$0x0], $0xffff  }
0xbd: {  	v16 =	vor.u32 v7, v16;
	v18 =	vld.idx.msk [tilespmem:v22+s2+$0x0], $0xffff;
	[tilespmem:s22+$0x50] =	vst v21  }
0xbe: {  	v14 =	vor.u32 v7, v14;
	[tilespmem:s22+$0xFFFFFF50] =	vst v13;
	v13 =	vld.idx.msk [tilespmem:v20+s2+$0x0], $0xffff  }
0xbf: {  	v17 =	vor.u32 v7, v17;
	[tilespmem:s18+$0xFFFFFF60] =	vst v23;
	v15 =	vld.idx.msk [tilespmem:v15+s2+$0x0], $0xffff  }
0xc0: {  	v10 =	vld.idx.msk [tilespmem:v10+s2+$0x0], $0xffff;
	[tilespmem:s18+$0xFFFFFFF0] =	vst v9;
	v9 =	vor.u32 v7, v11  }
0xc1: {  	v8 =	vld.idx.msk [tilespmem:v8+s2+$0x0], $0xffff;
	[tilespmem:s22+$0xE0] =	vst v12  }
0xc2: {  	[tilespmem:s22+$0xFFFFFFE0] =	vst v18;
	v11 =	vld.idx.msk [tilespmem:v16+s2+$0x0], $0xffff  }
0xc3: {  	v12 =	vld.idx.msk [tilespmem:v14+s2+$0x0], $0xffff;
	[tilespmem:s22+$0x60] =	vst v13  }
0xc4: {  	v13 =	vld.idx.msk [tilespmem:v17+s2+$0x0], $0xffff;
	[tilespmem:s22+$0xFFFFFF60] =	vst v15  }
0xc5: {  	[tilespmem:s18+$0x70] =	vst v10;
	v9 =	vld.idx.msk [tilespmem:v9+s2+$0x0], $0xffff  }
0xc6: {  	[tilespmem:s18+$0xFFFFFF70] =	vst v8  }
0xc7: {  	s23 =	simm.s32 $0x1;
	[tilespmem:s22+$0xF0] =	vst v11  }
0xc8: {  	v8 =	vmov s23;
	[tilespmem:s22+$0xFFFFFFF0] =	vst v12  }
0xc9: {  	s25 =	simm.s32 $0x3;
	v10 =	vshll.u32 v8, $0x3;
	[tilespmem:s22+$0x70] =	vst v13  }
0xca: {  	s26 =	simm.s32 $0x2;
	v8 =	vand.u32 $0x7D, v8;
	v10 =	vand.u32 $0x400, v10;
	v11 =	vmov s25;
	[tilespmem:s22+$0xFFFFFF70] =	vst v9  }
0xcb: {  	v16 =	vor.u32 v8, v10;
	v12 =	vshll.u32 v11, $0x3;
	[hbm4b:s4+s15] =	stream.strided.scatter [tilespmem:s16], [sflag:$0x1], $0x8000, s16, s15, $0x38;
	[tilespmem:$0x10000] =	vst v63  }
0xcc: {  	s24 =	simm.s32 $0x0;
	v13 =	vmov s26;
	v11 =	vand.u32 $0x7F, v11;
	v12 =	vand.u32 $0x400, v12;
	_ =	swait.ge [sflag:s14], $0x8000  }
0xcd: {  	v9 =	vmov s24;
	v8 =	vshll.u32 v13, $0x3;
	v14 =	vor.u32 v11, v12;
	[sflag:s14] =	ssyncset.done $0x0  }
0xce: {  	v10 =	vand.u32 $0x7E, v13;
	v8 =	vand.u32 $0x400, v8;
	v11 =	vor.u32 v0, v14;
	[sflag:s14] =	ssyncadd.s32 $0xFFFF8000  }
0xcf: {  	v13 =	vor.u32 v0, v16;
	v12 =	vshll.u32 v9, $0x3;
	v17 =	vor.u32 v10, v8;
	[tilespmem:s24], [sflag:$0x1] =	stream.strided.gather [hbm4b:s5+s12], $0x8000, s13, s12, $0x38;
	[tilespmem:$0x10000] =	vst v63  }
0xd0: {  	v8 =	vand.u32 $0x7C, v9;
	v9 =	vand.u32 $0x400, v12;
	v10 =	vor.u32 v0, v17;
	_ =	swait.ge [sflag:s14], $0x8000  }
0xd1: {  	v12 =	vor.u32 v8, v9;
	[sflag:s14] =	ssyncset.done $0x0  }
0xd2: {  	v8 =	vor.u32 v0, v12;
	[sflag:s14] =	ssyncadd.s32 $0xFFFF8000  }
0xd3: {  	v9 =	vld.idx.msk [tilespmem:v11+s2+$0x0], $0xffff  }
0xd4: {  	v11 =	vld.idx.msk [tilespmem:v13+s2+$0x0], $0xffff;
	v13 =	vor.u32 v1, v14  }
0xd5: {  	v15 =	vor.u32 v1, v16;
	v10 =	vld.idx.msk [tilespmem:v10+s2+$0x0], $0xffff  }
0xd6: {  	v18 =	vor.u32 v1, v17  }
0xd7: {  	s19 =	simm.s32 $0x8100;
	v8 =	vld.idx.msk [tilespmem:v8+s2+$0x0], $0xffff  }
0xd8: {  	v19 =	vor.u32 v1, v12;
	[tilespmem:s19+$0x80] =	vst v9  }
0xd9: {  	[tilespmem:s19+$0xFFFFFF80] =	vst v11;
	v9 =	vld.idx.msk [tilespmem:v13+s2+$0x0], $0xffff  }
0xda: {  	[tilespmem:s19+$0x0] =	vst v10;
	v10 =	vor.u32 v2, v14;
	v11 =	vld.idx.msk [tilespmem:v15+s2+$0x0], $0xffff  }
0xdb: {  	v13 =	vld.idx.msk [tilespmem:v18+s2+$0x0], $0xffff;
	v15 =	vor.u32 v2, v16  }
0xdc: {  	[tilespmem:s19+$0xFFFFFF00] =	vst v8;
	v8 =	vor.u32 v2, v17  }
0xdd: {  	v18 =	vld.idx.msk [tilespmem:v19+s2+$0x0], $0xffff  }
0xde: {  	s28 =	simm.s32 $0x4;
	v19 =	vor.u32 v2, v12;
	[tilespmem:s19+$0x90] =	vst v9  }
0xdf: {  	s29 =	simm.s32 $0x5;
	v9 =	vmov s28;
	[tilespmem:s19+$0xFFFFFF90] =	vst v11;
	v10 =	vld.idx.msk [tilespmem:v10+s2+$0x0], $0xffff  }
0xe0: {  	v20 =	vmov s29;
	[tilespmem:s19+$0x10] =	vst v13;
	v13 =	vor.u32 v3, v14;
	v11 =	vshll.u32 v9, $0x3;
	v15 =	vld.idx.msk [tilespmem:v15+s2+$0x0], $0xffff  }
0xe1: {  	v22 =	vor.u32 v3, v16;
	v9 =	vand.u32 $0x7C, v9;
	v21 =	vld.idx.msk [tilespmem:v8+s2+$0x0], $0xffff;
	v11 =	vand.u32 $0x400, v11  }
0xe2: {  	[tilespmem:s19+$0xFFFFFF10] =	vst v18;
	v8 =	vor.u32 v9, v11;
	v9 =	vshll.u32 v20, $0x3;
	v11 =	vor.u32 v3, v17  }
0xe3: {  	v19 =	vld.idx.msk [tilespmem:v19+s2+$0x0], $0xffff;
	v20 =	vand.u32 $0x7D, v20;
	v18 =	vor.u32 v0, v8;
	v9 =	vand.u32 $0x400, v9  }
0xe4: {  	s30 =	simm.s32 $0x7;
	v9 =	vor.u32 v20, v9;
	v20 =	vor.u32 v3, v12;
	[tilespmem:s19+$0xA0] =	vst v10  }
0xe5: {  	s31 =	simm.s32 $0x6;
	v10 =	vor.u32 v0, v9;
	[tilespmem:s19+$0xFFFFFFA0] =	vst v15;
	v15 =	vld.idx.msk [tilespmem:v13+s2+$0x0], $0xffff;
	v13 =	vmov s30  }
0xe6: {  	v23 =	vmov s31;
	[tilespmem:s19+$0x20] =	vst v21;
	v21 =	vor.u32 v4, v14;
	v22 =	vld.idx.msk [tilespmem:v22+s2+$0x0], $0xffff;
	v24 =	vshll.u32 v13, $0x3  }
0xe7: {  	v25 =	vor.u32 v4, v16;
	v11 =	vld.idx.msk [tilespmem:v11+s2+$0x0], $0xffff;
	v13 =	vand.u32 $0x7F, v13;
	v24 =	vand.u32 $0x400, v24  }
0xe8: {  	v26 =	vshll.u32 v23, $0x3;
	[tilespmem:s19+$0xFFFFFF20] =	vst v19;
	v19 =	vor.u32 v4, v17;
	v18 =	vld.idx.msk [tilespmem:v18+s2+$0x0], $0xffff;
	v13 =	vor.u32 v13, v24  }
0xe9: {  	v23 =	vand.u32 $0x7E, v23;
	v20 =	vld.idx.msk [tilespmem:v20+s2+$0x0], $0xffff;
	v24 =	vand.u32 $0x400, v26;
	v26 =	vor.u32 v0, v13  }
0xea: {  	s20 =	simm.s32 $0x8;
	v27 =	vld.idx.msk [tilespmem:v10+s2+$0x0], $0xffff;
	v10 =	vor.u32 v23, v24;
	[tilespmem:s19+$0xB0] =	vst v15;
	v15 =	vor.u32 v4, v12  }
0xeb: {  	[tilespmem:s19+$0xFFFFFFB0] =	vst v22;
	v22 =	vmov s20;
	v23 =	vor.u32 v0, v10;
	v21 =	vld.idx.msk [tilespmem:v21+s2+$0x0], $0xffff  }
0xec: {  	v24 =	vld.idx.msk [tilespmem:v25+s2+$0x0], $0xffff;
	[tilespmem:s19+$0x30] =	vst v11;
	v11 =	vshll.u32 v22, $0x3;
	v25 =	vor.u32 v5, v14  }
0xed: {  	v28 =	vor.u32 v5, v16;
	v22 =	vand.u32 $0x7C, v22;
	v19 =	vld.idx.msk [tilespmem:v19+s2+$0x0], $0xffff;
	v11 =	vand.u32 $0x400, v11  }
0xee: {  	s18 =	simm.s32 $0x8300;
	[tilespmem:s19+$0xFFFFFF30] =	vst v20;
	v11 =	vor.u32 v22, v11;
	v22 =	vor.u32 v5, v17;
	v20 =	vld.idx.msk [tilespmem:v26+s2+$0x0], $0xffff  }
0xef: {  	v26 =	vor.u32 v0, v11;
	[tilespmem:s18+$0xFFFFFF80] =	vst v27;
	v29 =	vld.idx.msk [tilespmem:v15+s2+$0x0], $0xffff  }
0xf0: {  	v30 =	vor.u32 v1, v13;
	v23 =	vld.idx.msk [tilespmem:v23+s2+$0x0], $0xffff;
	[tilespmem:s19+$0xC0] =	vst v21  }
0xf1: {  	v21 =	vor.u32 v1, v9;
	[tilespmem:s19+$0xFFFFFFC0] =	vst v24;
	v24 =	vld.idx.msk [tilespmem:v25+s2+$0x0], $0xffff  }
0xf2: {  	v27 =	vor.u32 v5, v12;
	v28 =	vld.idx.msk [tilespmem:v28+s2+$0x0], $0xffff;
	[tilespmem:s19+$0x40] =	vst v19  }
0xf3: {  	v25 =	vor.u32 v1, v10;
	v19 =	vld.idx.msk [tilespmem:v22+s2+$0x0], $0xffff  }
0xf4: {  	v22 =	vor.u32 v6, v14;
	v15 =	vld.idx.msk [tilespmem:v26+s2+$0x0], $0xffff;
	[tilespmem:s18+$0x80] =	vst v20  }
0xf5: {  	v26 =	vor.u32 v1, v8;
	v20 =	vld.idx.msk [tilespmem:v30+s2+$0x0], $0xffff;
	[tilespmem:s18+$0x0] =	vst v23  }
0xf6: {  	v23 =	vor.u32 v6, v16;
	[tilespmem:s19+$0xFFFFFF40] =	vst v29;
	v21 =	vld.idx.msk [tilespmem:v21+s2+$0x0], $0xffff  }
0xf7: {  	v30 =	vor.u32 v2, v13;
	v27 =	vld.idx.msk [tilespmem:v27+s2+$0x0], $0xffff  }
0xf8: {  	v25 =	vld.idx.msk [tilespmem:v25+s2+$0x0], $0xffff;
	[tilespmem:s19+$0xD0] =	vst v24;
	v24 =	vor.u32 v2, v9  }
0xf9: {  	v31 =	vor.u32 v2, v10;
	[tilespmem:s18+$0xFFFFFF00] =	vst v18;
	v22 =	vld.idx.msk [tilespmem:v22+s2+$0x0], $0xffff  }
0xfa: {  	v14 =	vor.u32 v7, v14;
	[tilespmem:s19+$0xFFFFFFD0] =	vst v28;
	v26 =	vld.idx.msk [tilespmem:v26+s2+$0x0], $0xffff  }
0xfb: {  	[tilespmem:s18+$0x90] =	vst v20;
	v18 =	vld.idx.msk [tilespmem:v23+s2+$0x0], $0xffff  }
0xfc: {  	v28 =	vor.u32 v2, v8;
	[tilespmem:s18+$0xFFFFFF90] =	vst v21;
	v20 =	vld.idx.msk [tilespmem:v30+s2+$0x0], $0xffff  }
0xfd: {  	s21 =	simm.s32 $0x9;
	v21 =	vor.u32 v6, v17;
	v23 =	vld.idx.msk [tilespmem:v24+s2+$0x0], $0xffff;
	[tilespmem:s18+$0x10] =	vst v25  }
0xfe: {  	v29 =	vor.u32 v6, v12;
	v30 =	vld.idx.msk [tilespmem:v31+s2+$0x0], $0xffff;
	[tilespmem:s19+$0xE0] =	vst v22;
	v22 =	vmov s21  }
0xff: {  	[tilespmem:s19+$0x50] =	vst v19;
	v31 =	vor.u32 v3, v13;
	v25 =	vld.idx.msk [tilespmem:v14+s2+$0x0], $0xffff;
	v14 =	vshll.u32 v22, $0x3  }
0x100: {  	v32 =	vor.u32 v3, v9;
	[tilespmem:s18+$0xFFFFFF10] =	vst v26;
	v19 =	vand.u32 $0x7D, v22;
	v14 =	vand.u32 $0x400, v14  }
0x101: {  	[tilespmem:s19+$0xFFFFFF50] =	vst v27;
	v24 =	vld.idx.msk [tilespmem:v28+s2+$0x0], $0xffff;
	v28 =	vor.u32 v3, v10;
	v14 =	vor.u32 v19, v14  }
0x102: {  	v21 =	vld.idx.msk [tilespmem:v21+s2+$0x0], $0xffff;
	[tilespmem:s18+$0xA0] =	vst v20;
	v20 =	vor.u32 v0, v14  }
0x103: {  	v27 =	vor.u32 v3, v8;
	v19 =	vld.idx.msk [tilespmem:v29+s2+$0x0], $0xffff  }
0x104: {  	v26 =	vor.u32 v7, v16;
	[tilespmem:s18+$0xFFFFFFA0] =	vst v23;
	v22 =	vld.idx.msk [tilespmem:v31+s2+$0x0], $0xffff  }
0x105: {  	s22 =	simm.s32 $0xB;
	v17 =	vor.u32 v7, v17;
	s21 =	simm.s32 $0xC;
	v23 =	vld.idx.msk [tilespmem:v32+s2+$0x0], $0xffff;
	[tilespmem:s18+$0x20] =	vst v30  }
.LBB2_4:
0x106: {  	p0 =	slt.u32 s21, $0xFC;
	s23 =	sadd.s32 $0x2, s20;
	v16 =	vmov s22;
	v28 =	vld.idx.msk [tilespmem:v28+s2+$0x0], $0xffff;
	v29 =	vor.u32 v4, v13;
	[tilespmem:s19+$0xF0] =	vst v25;
	s20 =	smov.u32 s21  }
0x107: {  	v20 =	vld.idx.msk [tilespmem:v20+s2+$0x0], $0xffff;
	v25 =	vmov s23;
	v30 =	vshll.u32 v16, $0x3;
	[tilespmem:s18+$0xFFFFFF20] =	vst v24;
	v24 =	vor.u32 v4, v9  }
0x108: {  	v31 =	vor.u32 v4, v10;
	v16 =	vand.u32 $0x7F, v16;
	v30 =	vand.u32 $0x400, v30;
	v27 =	vld.idx.msk [tilespmem:v27+s2+$0x0], $0xffff;
	[tilespmem:s19+$0xFFFFFFE0] =	vst v18  }
0x109: {  	v18 =	vshll.u32 v25, $0x3;
	v16 =	vor.u32 v16, v30;
	v30 =	vor.u32 v7, v12;
	v26 =	vld.idx.msk [tilespmem:v26+s2+$0x0], $0xffff;
	[tilespmem:s19+$0x60] =	vst v21  }
0x10a: {  	v21 =	vand.u32 $0x7E, v25;
	v18 =	vand.u32 $0x400, v18;
	v12 =	vmovc v8;
	v25 =	vor.u32 v0, v16;
	[tilespmem:s18+$0xB0] =	vst v22;
	v17 =	vld.idx.msk [tilespmem:v17+s2+$0x0], $0xffff  }
0x10b: {  	v8 =	vmov v11;
	v32 =	vor.u32 v21, v18;
	v18 =	vor.u32 v4, v12;
	[tilespmem:s18+$0xFFFFFFB0] =	vst v23;
	v21 =	vld.idx.msk [tilespmem:v29+s2+$0x0], $0xffff  }
0x10c: {  	v11 =	vmov s21;
	v22 =	vor.u32 v0, v32;
	v23 =	vld.idx.msk [tilespmem:v24+s2+$0x0], $0xffff;
	[tilespmem:s18+$0x30] =	vst v28  }
0x10d: {  	v29 =	vor.u32 v5, v13;
	v24 =	vshll.u32 v11, $0x3;
	v28 =	vld.idx.msk [tilespmem:v31+s2+$0x0], $0xffff;
	[tilespmem:s19+$0xFFFFFF60] =	vst v19  }
0x10e: {  	v11 =	vand.u32 $0x7C, v11;
	v19 =	vand.u32 $0x400, v24;
	v24 =	vor.u32 v5, v9;
	[tilespmem:s18+$0xFFFFFF30] =	vst v27;
	v27 =	vld.idx.msk [tilespmem:v30+s2+$0x0], $0xffff  }
0x10f: {  	v11 =	vor.u32 v11, v19;
	v19 =	vld.idx.msk [tilespmem:v25+s2+$0x0], $0xffff;
	v25 =	vor.u32 v5, v10;
	[tilespmem:s19+$0xFFFFFFF0] =	vst v26  }
0x110: {  	v26 =	vor.u32 v0, v11;
	v18 =	vld.idx.msk [tilespmem:v18+s2+$0x0], $0xffff;
	[tilespmem:s19+$0x70] =	vst v17  }
0x111: {  	v17 =	vld.idx.msk [tilespmem:v22+s2+$0x0], $0xffff;
	v22 =	vor.u32 v1, v16;
	[tilespmem:s18+$0xC0] =	vst v21  }
0x112: {  	v21 =	vor.u32 v1, v14;
	[tilespmem:s18+$0xFFFFFFC0] =	vst v23;
	v23 =	vld.idx.msk [tilespmem:v29+s2+$0x0], $0xffff  }
0x113: {  	v29 =	vor.u32 v1, v32;
	v24 =	vld.idx.msk [tilespmem:v24+s2+$0x0], $0xffff;
	[tilespmem:s18+$0x40] =	vst v28  }
0x114: {  	v30 =	vld.idx.msk [tilespmem:v25+s2+$0x0], $0xffff;
	v25 =	vor.u32 v6, v13;
	[tilespmem:s19+$0xFFFFFF70] =	vst v27;
	s19 =	smov.u32 s18;
	s18 =	sadd.s32 $0x200, s18  }
0x115: {  	v27 =	vor.u32 v1, v8;
	v26 =	vld.idx.msk [tilespmem:v26+s2+$0x0], $0xffff;
	[tilespmem:s18+$0x80] =	vst v19  }
0x116: {  	[tilespmem:s18+$0xFFFFFF80] =	vst v20;
	v19 =	vld.idx.msk [tilespmem:v22+s2+$0x0], $0xffff;
	v20 =	vor.u32 v5, v12  }
0x117: {  	v21 =	vld.idx.msk [tilespmem:v21+s2+$0x0], $0xffff;
	[tilespmem:s18+$0x0] =	vst v17;
	v17 =	vor.u32 v6, v9  }
0x118: {  	v28 =	vor.u32 v2, v16;
	v22 =	vld.idx.msk [tilespmem:v29+s2+$0x0], $0xffff;
	[tilespmem:s19+$0xD0] =	vst v23  }
0x119: {  	v23 =	vor.u32 v2, v14;
	[tilespmem:s18+$0xFFFFFF00] =	vst v15;
	v25 =	vld.idx.msk [tilespmem:v25+s2+$0x0], $0xffff  }
0x11a: {  	v29 =	vor.u32 v2, v32;
	v27 =	vld.idx.msk [tilespmem:v27+s2+$0x0], $0xffff;
	[tilespmem:s19+$0xFFFFFF40] =	vst v18  }
0x11b: {  	v15 =	vmov v26;
	v31 =	vld.idx.msk [tilespmem:v20+s2+$0x0], $0xffff;
	[tilespmem:s19+$0xFFFFFFD0] =	vst v24;
	v20 =	vor.u32 v7, v13;
	v13 =	vmov v16  }
0x11c: {  	v16 =	vor.u32 v2, v8;
	[tilespmem:s18+$0x90] =	vst v19;
	v18 =	vld.idx.msk [tilespmem:v17+s2+$0x0], $0xffff  }
0x11d: {  	s22 =	sadd.s32 $0x1, s21;
	v19 =	vor.u32 v6, v10;
	[tilespmem:s18+$0xFFFFFF90] =	vst v21;
	v17 =	vld.idx.msk [tilespmem:v28+s2+$0x0], $0xffff  }
0x11e: {  	v21 =	vmov s22;
	v23 =	vld.idx.msk [tilespmem:v23+s2+$0x0], $0xffff;
	[tilespmem:s18+$0x10] =	vst v22;
	v22 =	vor.u32 v6, v12  }
0x11f: {  	v26 =	vor.u32 v3, v13;
	v24 =	vshll.u32 v21, $0x3;
	v29 =	vld.idx.msk [tilespmem:v29+s2+$0x0], $0xffff;
	[tilespmem:s19+$0xE0] =	vst v25  }
0x120: {  	v33 =	vor.u32 v3, v14;
	v21 =	vand.u32 $0x7D, v21;
	v24 =	vand.u32 $0x400, v24;
	[tilespmem:s18+$0xFFFFFF10] =	vst v27;
	v25 =	vld.idx.msk [tilespmem:v20+s2+$0x0], $0xffff  }
.Ltmp1:
0x121: {  	v28 =	vor.u32 v3, v32;
	v34 =	vor.u32 v21, v24;
	v24 =	vld.idx.msk [tilespmem:v16+s2+$0x0], $0xffff;
	[tilespmem:s19+$0x50] =	vst v30;
	(pc) =	sbr.rel @p0 .LBB2_4-.Ltmp1, $4  }
0x122: {  	v20 =	vor.u32 v0, v34;
	[tilespmem:s19+$0xFFFFFF50] =	vst v31;
	v21 =	vld.idx.msk [tilespmem:v19+s2+$0x0], $0xffff  }
0x123: {  	v27 =	vor.u32 v3, v8;
	[tilespmem:s18+$0xA0] =	vst v17;
	v19 =	vld.idx.msk [tilespmem:v22+s2+$0x0], $0xffff  }
0x124: {  	[tilespmem:s18+$0xFFFFFFA0] =	vst v23;
	v22 =	vld.idx.msk [tilespmem:v26+s2+$0x0], $0xffff;
	v26 =	vor.u32 v7, v9;
	v9 =	vmov v14;
	v14 =	vmov v34  }
0x125: {  	s21 =	sadd.s32 $0x4, s21;
	s22 =	sadd.s32 $0x3, s20;
	v17 =	vor.u32 v7, v10;
	v10 =	vmov v32;
	v23 =	vld.idx.msk [tilespmem:v33+s2+$0x0], $0xffff;
	[tilespmem:s18+$0x20] =	vst v29  }
0x126: {  	_ =	sdelay $0x2  }
0x127: {  	v16 =	vmov s22;
	[tilespmem:s19+$0xF0] =	vst v25  }
0x128: {  	s20 =	sadd.s32 $0x2, s20;
	v25 =	vld.idx.msk [tilespmem:v28+s2+$0x0], $0xffff;
	v28 =	vor.u32 v4, v13;
	[tilespmem:s18+$0xFFFFFF20] =	vst v24;
	v24 =	vor.u32 v4, v9;
	v30 =	vshll.u32 v16, $0x3  }
0x129: {  	[tilespmem:s19+$0xFFFFFFE0] =	vst v18;
	v29 =	vmov s20;
	v16 =	vand.u32 $0x7F, v16;
	v30 =	vand.u32 $0x400, v30  }
0x12a: {  	v18 =	vld.idx.msk [tilespmem:v27+s2+$0x0], $0xffff;
	v27 =	vor.u32 v4, v10;
	[tilespmem:s19+$0x60] =	vst v21;
	v31 =	vshll.u32 v29, $0x3;
	v16 =	vor.u32 v16, v30  }
0x12b: {  	v21 =	vld.idx.msk [tilespmem:v26+s2+$0x0], $0xffff;
	v26 =	vand.u32 $0x7E, v29;
	[tilespmem:s19+$0xFFFFFF60] =	vst v19;
	v29 =	vand.u32 $0x400, v31;
	v30 =	vor.u32 v0, v16  }
0x12c: {  	[tilespmem:s18+$0xB0] =	vst v22;
	v22 =	vld.idx.msk [tilespmem:v17+s2+$0x0], $0xffff;
	v17 =	vor.u32 v26, v29  }
0x12d: {  	[tilespmem:s18+$0xFFFFFFB0] =	vst v23;
	v23 =	vld.idx.msk [tilespmem:v28+s2+$0x0], $0xffff;
	v26 =	vor.u32 v0, v17  }
0x12e: {  	[tilespmem:s18+$0x30] =	vst v25;
	v24 =	vld.idx.msk [tilespmem:v24+s2+$0x0], $0xffff  }
0x12f: {  	v12 =	vor.u32 v7, v12;
	v19 =	vld.idx.msk [tilespmem:v27+s2+$0x0], $0xffff;
	[tilespmem:s18+$0xFFFFFF30] =	vst v18  }
0x130: {  	v18 =	vor.u32 v5, v13;
	[tilespmem:s19+$0xFFFFFFF0] =	vst v21;
	v25 =	vld.idx.msk [tilespmem:v30+s2+$0x0], $0xffff  }
0x131: {  	v20 =	vld.idx.msk [tilespmem:v20+s2+$0x0], $0xffff;
	v21 =	vor.u32 v1, v16;
	[tilespmem:s19+$0x70] =	vst v22  }
0x132: {  	v22 =	vld.idx.msk [tilespmem:v26+s2+$0x0], $0xffff;
	[tilespmem:s18+$0xC0] =	vst v23;
	v23 =	vor.u32 v1, v14  }
0x133: {  	[tilespmem:s18+$0xFFFFFFC0] =	vst v24;
	v24 =	vor.u32 v1, v17  }
0x134: {  	s22 =	sadd.s32 $0x200, s18;
	v12 =	vld.idx.msk [tilespmem:v12+s2+$0x0], $0xffff;
	[tilespmem:s18+$0x40] =	vst v19;
	v19 =	vor.u32 v1, v11  }
0x135: {  	v26 =	vor.u32 v4, v8;
	v18 =	vld.idx.msk [tilespmem:v18+s2+$0x0], $0xffff;
	[tilespmem:s22+$0x80] =	vst v25  }
0x136: {  	[tilespmem:s22+$0xFFFFFF80] =	vst v20;
	v25 =	vor.u32 v5, v9;
	v20 =	vld.idx.msk [tilespmem:v21+s2+$0x0], $0xffff  }
0x137: {  	v21 =	vld.idx.msk [tilespmem:v23+s2+$0x0], $0xffff;
	[tilespmem:s22+$0x0] =	vst v22;
	v22 =	vor.u32 v2, v16  }
0x138: {  	[tilespmem:s22+$0xFFFFFF00] =	vst v15;
	v15 =	vor.u32 v2, v14;
	v23 =	vld.idx.msk [tilespmem:v24+s2+$0x0], $0xffff  }
0x139: {  	[tilespmem:s19+$0xFFFFFF70] =	vst v12;
	v12 =	vld.idx.msk [tilespmem:v19+s2+$0x0], $0xffff;
	v19 =	vor.u32 v2, v17  }
0x13a: {  	v24 =	vld.idx.msk [tilespmem:v26+s2+$0x0], $0xffff;
	[tilespmem:s18+$0xD0] =	vst v18;
	v18 =	vor.u32 v2, v11  }
0x13b: {  	v26 =	vor.u32 v6, v13;
	v25 =	vld.idx.msk [tilespmem:v25+s2+$0x0], $0xffff;
	[tilespmem:s22+$0x90] =	vst v20  }
0x13c: {  	v20 =	vor.u32 v5, v10;
	[tilespmem:s22+$0xFFFFFF90] =	vst v21;
	v21 =	vld.idx.msk [tilespmem:v22+s2+$0x0], $0xffff  }
0x13d: {  	v15 =	vld.idx.msk [tilespmem:v15+s2+$0x0], $0xffff;
	[tilespmem:s22+$0x10] =	vst v23;
	v22 =	vor.u32 v3, v16  }
0x13e: {  	[tilespmem:s22+$0xFFFFFF10] =	vst v12;
	v12 =	vor.u32 v3, v14;
	v19 =	vld.idx.msk [tilespmem:v19+s2+$0x0], $0xffff  }
0x13f: {  	[tilespmem:s18+$0xFFFFFF40] =	vst v24;
	v23 =	vor.u32 v3, v17;
	v18 =	vld.idx.msk [tilespmem:v18+s2+$0x0], $0xffff  }
0x140: {  	v24 =	vld.idx.msk [tilespmem:v26+s2+$0x0], $0xffff;
	[tilespmem:s18+$0xFFFFFFD0] =	vst v25;
	v25 =	vor.u32 v3, v11  }
0x141: {  	v26 =	vor.u32 v5, v8;
	v20 =	vld.idx.msk [tilespmem:v20+s2+$0x0], $0xffff;
	[tilespmem:s22+$0xA0] =	vst v21  }
0x142: {  	v13 =	vor.u32 v7, v13;
	[tilespmem:s22+$0xFFFFFFA0] =	vst v15;
	v15 =	vld.idx.msk [tilespmem:v22+s2+$0x0], $0xffff  }
0x143: {  	v12 =	vld.idx.msk [tilespmem:v12+s2+$0x0], $0xffff;
	[tilespmem:s22+$0x20] =	vst v19;
	v19 =	vor.u32 v4, v16  }
0x144: {  	[tilespmem:s22+$0xFFFFFF20] =	vst v18;
	v18 =	vor.u32 v4, v14;
	v21 =	vld.idx.msk [tilespmem:v23+s2+$0x0], $0xffff  }
0x145: {  	[tilespmem:s18+$0xE0] =	vst v24;
	v23 =	vor.u32 v4, v17;
	v22 =	vld.idx.msk [tilespmem:v25+s2+$0x0], $0xffff  }
0x146: {  	v24 =	vld.idx.msk [tilespmem:v26+s2+$0x0], $0xffff;
	[tilespmem:s18+$0x50] =	vst v20;
	v20 =	vor.u32 v4, v11  }
0x147: {  	v13 =	vld.idx.msk [tilespmem:v13+s2+$0x0], $0xffff;
	v25 =	vor.u32 v6, v9;
	[tilespmem:s22+$0xB0] =	vst v15  }
0x148: {  	v15 =	vor.u32 v6, v10;
	[tilespmem:s22+$0xFFFFFFB0] =	vst v12;
	v12 =	vld.idx.msk [tilespmem:v19+s2+$0x0], $0xffff  }
0x149: {  	v18 =	vld.idx.msk [tilespmem:v18+s2+$0x0], $0xffff;
	[tilespmem:s22+$0x30] =	vst v21;
	v19 =	vor.u32 v5, v16  }
0x14a: {  	v21 =	vld.idx.msk [tilespmem:v23+s2+$0x0], $0xffff;
	[tilespmem:s22+$0xFFFFFF30] =	vst v22;
	v22 =	vor.u32 v5, v14  }
0x14b: {  	[tilespmem:s18+$0xFFFFFF50] =	vst v24;
	v23 =	vor.u32 v5, v17;
	v20 =	vld.idx.msk [tilespmem:v20+s2+$0x0], $0xffff  }
0x14c: {  	[tilespmem:s18+$0xF0] =	vst v13;
	v13 =	vor.u32 v5, v11;
	v24 =	vld.idx.msk [tilespmem:v25+s2+$0x0], $0xffff  }
0x14d: {  	v25 =	vor.u32 v6, v8;
	v15 =	vld.idx.msk [tilespmem:v15+s2+$0x0], $0xffff;
	[tilespmem:s22+$0xC0] =	vst v12  }
0x14e: {  	v9 =	vor.u32 v7, v9;
	[tilespmem:s22+$0xFFFFFFC0] =	vst v18;
	v12 =	vld.idx.msk [tilespmem:v19+s2+$0x0], $0xffff  }
0x14f: {  	v18 =	vld.idx.msk [tilespmem:v22+s2+$0x0], $0xffff;
	[tilespmem:s22+$0x40] =	vst v21;
	v19 =	vor.u32 v6, v16  }
0x150: {  	v22 =	vor.u32 v6, v14;
	v21 =	vld.idx.msk [tilespmem:v23+s2+$0x0], $0xffff;
	[tilespmem:s22+$0xFFFFFF40] =	vst v20  }
0x151: {  	[tilespmem:s18+$0xFFFFFFE0] =	vst v24;
	v20 =	vor.u32 v6, v17;
	v13 =	vld.idx.msk [tilespmem:v13+s2+$0x0], $0xffff  }
0x152: {  	v23 =	vld.idx.msk [tilespmem:v25+s2+$0x0], $0xffff;
	[tilespmem:s18+$0x60] =	vst v15;
	v15 =	vor.u32 v6, v11  }
0x153: {  	v10 =	vor.u32 v7, v10;
	v9 =	vld.idx.msk [tilespmem:v9+s2+$0x0], $0xffff;
	[tilespmem:s22+$0xD0] =	vst v12  }
0x154: {  	v8 =	vor.u32 v7, v8;
	[tilespmem:s22+$0xFFFFFFD0] =	vst v18;
	v12 =	vld.idx.msk [tilespmem:v19+s2+$0x0], $0xffff  }
0x155: {  	v16 =	vor.u32 v7, v16;
	v18 =	vld.idx.msk [tilespmem:v22+s2+$0x0], $0xffff;
	[tilespmem:s22+$0x50] =	vst v21  }
0x156: {  	v14 =	vor.u32 v7, v14;
	[tilespmem:s22+$0xFFFFFF50] =	vst v13;
	v13 =	vld.idx.msk [tilespmem:v20+s2+$0x0], $0xffff  }
0x157: {  	v17 =	vor.u32 v7, v17;
	[tilespmem:s18+$0xFFFFFF60] =	vst v23;
	v15 =	vld.idx.msk [tilespmem:v15+s2+$0x0], $0xffff  }
0x158: {  	v10 =	vld.idx.msk [tilespmem:v10+s2+$0x0], $0xffff;
	[tilespmem:s18+$0xFFFFFFF0] =	vst v9;
	v9 =	vor.u32 v7, v11  }
0x159: {  	v8 =	vld.idx.msk [tilespmem:v8+s2+$0x0], $0xffff;
	[tilespmem:s22+$0xE0] =	vst v12  }
0x15a: {  	[tilespmem:s22+$0xFFFFFFE0] =	vst v18;
	v11 =	vld.idx.msk [tilespmem:v16+s2+$0x0], $0xffff  }
0x15b: {  	v12 =	vld.idx.msk [tilespmem:v14+s2+$0x0], $0xffff;
	[tilespmem:s22+$0x60] =	vst v13  }
0x15c: {  	v13 =	vld.idx.msk [tilespmem:v17+s2+$0x0], $0xffff;
	[tilespmem:s22+$0xFFFFFF60] =	vst v15  }
0x15d: {  	[tilespmem:s18+$0x70] =	vst v10;
	v9 =	vld.idx.msk [tilespmem:v9+s2+$0x0], $0xffff  }
0x15e: {  	[tilespmem:s18+$0xFFFFFF70] =	vst v8  }
0x15f: {  	s23 =	simm.s32 $0x1;
	[tilespmem:s22+$0xF0] =	vst v11  }
0x160: {  	v8 =	vmov s23;
	[tilespmem:s22+$0xFFFFFFF0] =	vst v12  }
0x161: {  	s25 =	simm.s32 $0x3;
	v10 =	vshll.u32 v8, $0x3;
	[tilespmem:s22+$0x70] =	vst v13  }
0x162: {  	s26 =	simm.s32 $0x2;
	v8 =	vand.u32 $0x7D, v8;
	v10 =	vand.u32 $0x400, v10;
	v11 =	vmov s25;
	[tilespmem:s22+$0xFFFFFF70] =	vst v9  }
0x163: {  	v16 =	vor.u32 v8, v10;
	v12 =	vshll.u32 v11, $0x3;
	[hbm4b:s6+s15] =	stream.strided.scatter [tilespmem:s16], [sflag:$0x1], $0x8000, s16, s15, $0x38;
	[tilespmem:$0x10000] =	vst v63  }
0x164: {  	s24 =	simm.s32 $0x0;
	v13 =	vmov s26;
	v11 =	vand.u32 $0x7F, v11;
	v12 =	vand.u32 $0x400, v12;
	_ =	swait.ge [sflag:s14], $0x8000  }
0x165: {  	v9 =	vmov s24;
	v8 =	vshll.u32 v13, $0x3;
	v14 =	vor.u32 v11, v12;
	[sflag:s14] =	ssyncset.done $0x0  }
0x166: {  	v10 =	vand.u32 $0x7E, v13;
	v8 =	vand.u32 $0x400, v8;
	v11 =	vor.u32 v0, v14;
	[sflag:s14] =	ssyncadd.s32 $0xFFFF8000  }
0x167: {  	v13 =	vor.u32 v0, v16;
	v12 =	vshll.u32 v9, $0x3;
	v17 =	vor.u32 v10, v8;
	[tilespmem:s24], [sflag:$0x1] =	stream.strided.gather [hbm4b:s7+s12], $0x8000, s13, s12, $0x38;
	[tilespmem:$0x10000] =	vst v63  }
0x168: {  	v8 =	vand.u32 $0x7C, v9;
	v9 =	vand.u32 $0x400, v12;
	v10 =	vor.u32 v0, v17;
	_ =	swait.ge [sflag:s14], $0x8000  }
0x169: {  	v12 =	vor.u32 v8, v9;
	[sflag:s14] =	ssyncset.done $0x0  }
0x16a: {  	v8 =	vor.u32 v0, v12;
	[sflag:s14] =	ssyncadd.s32 $0xFFFF8000  }
0x16b: {  	v9 =	vld.idx.msk [tilespmem:v11+s2+$0x0], $0xffff  }
0x16c: {  	v11 =	vld.idx.msk [tilespmem:v13+s2+$0x0], $0xffff;
	v13 =	vor.u32 v1, v14  }
0x16d: {  	v15 =	vor.u32 v1, v16;
	v10 =	vld.idx.msk [tilespmem:v10+s2+$0x0], $0xffff  }
0x16e: {  	v18 =	vor.u32 v1, v17  }
0x16f: {  	s19 =	simm.s32 $0x8100;
	v8 =	vld.idx.msk [tilespmem:v8+s2+$0x0], $0xffff  }
0x170: {  	v19 =	vor.u32 v1, v12;
	[tilespmem:s19+$0x80] =	vst v9  }
0x171: {  	[tilespmem:s19+$0xFFFFFF80] =	vst v11;
	v9 =	vld.idx.msk [tilespmem:v13+s2+$0x0], $0xffff  }
0x172: {  	[tilespmem:s19+$0x0] =	vst v10;
	v10 =	vor.u32 v2, v14;
	v11 =	vld.idx.msk [tilespmem:v15+s2+$0x0], $0xffff  }
0x173: {  	v13 =	vld.idx.msk [tilespmem:v18+s2+$0x0], $0xffff;
	v15 =	vor.u32 v2, v16  }
0x174: {  	[tilespmem:s19+$0xFFFFFF00] =	vst v8;
	v8 =	vor.u32 v2, v17  }
0x175: {  	v18 =	vld.idx.msk [tilespmem:v19+s2+$0x0], $0xffff  }
0x176: {  	s28 =	simm.s32 $0x4;
	v19 =	vor.u32 v2, v12;
	[tilespmem:s19+$0x90] =	vst v9  }
0x177: {  	s29 =	simm.s32 $0x5;
	v9 =	vmov s28;
	[tilespmem:s19+$0xFFFFFF90] =	vst v11;
	v10 =	vld.idx.msk [tilespmem:v10+s2+$0x0], $0xffff  }
0x178: {  	v20 =	vmov s29;
	[tilespmem:s19+$0x10] =	vst v13;
	v13 =	vor.u32 v3, v14;
	v11 =	vshll.u32 v9, $0x3;
	v15 =	vld.idx.msk [tilespmem:v15+s2+$0x0], $0xffff  }
0x179: {  	v22 =	vor.u32 v3, v16;
	v9 =	vand.u32 $0x7C, v9;
	v21 =	vld.idx.msk [tilespmem:v8+s2+$0x0], $0xffff;
	v11 =	vand.u32 $0x400, v11  }
0x17a: {  	[tilespmem:s19+$0xFFFFFF10] =	vst v18;
	v8 =	vor.u32 v9, v11;
	v9 =	vshll.u32 v20, $0x3;
	v11 =	vor.u32 v3, v17  }
0x17b: {  	v19 =	vld.idx.msk [tilespmem:v19+s2+$0x0], $0xffff;
	v20 =	vand.u32 $0x7D, v20;
	v18 =	vor.u32 v0, v8;
	v9 =	vand.u32 $0x400, v9  }
0x17c: {  	s30 =	simm.s32 $0x7;
	v9 =	vor.u32 v20, v9;
	v20 =	vor.u32 v3, v12;
	[tilespmem:s19+$0xA0] =	vst v10  }
0x17d: {  	s31 =	simm.s32 $0x6;
	v10 =	vor.u32 v0, v9;
	[tilespmem:s19+$0xFFFFFFA0] =	vst v15;
	v15 =	vld.idx.msk [tilespmem:v13+s2+$0x0], $0xffff;
	v13 =	vmov s30  }
0x17e: {  	v23 =	vmov s31;
	[tilespmem:s19+$0x20] =	vst v21;
	v21 =	vor.u32 v4, v14;
	v22 =	vld.idx.msk [tilespmem:v22+s2+$0x0], $0xffff;
	v24 =	vshll.u32 v13, $0x3  }
0x17f: {  	v25 =	vor.u32 v4, v16;
	v11 =	vld.idx.msk [tilespmem:v11+s2+$0x0], $0xffff;
	v13 =	vand.u32 $0x7F, v13;
	v24 =	vand.u32 $0x400, v24  }
0x180: {  	v26 =	vshll.u32 v23, $0x3;
	[tilespmem:s19+$0xFFFFFF20] =	vst v19;
	v19 =	vor.u32 v4, v17;
	v18 =	vld.idx.msk [tilespmem:v18+s2+$0x0], $0xffff;
	v13 =	vor.u32 v13, v24  }
0x181: {  	v23 =	vand.u32 $0x7E, v23;
	v20 =	vld.idx.msk [tilespmem:v20+s2+$0x0], $0xffff;
	v24 =	vand.u32 $0x400, v26;
	v26 =	vor.u32 v0, v13  }
0x182: {  	s20 =	simm.s32 $0x8;
	v27 =	vld.idx.msk [tilespmem:v10+s2+$0x0], $0xffff;
	v10 =	vor.u32 v23, v24;
	[tilespmem:s19+$0xB0] =	vst v15;
	v15 =	vor.u32 v4, v12  }
0x183: {  	[tilespmem:s19+$0xFFFFFFB0] =	vst v22;
	v22 =	vmov s20;
	v23 =	vor.u32 v0, v10;
	v21 =	vld.idx.msk [tilespmem:v21+s2+$0x0], $0xffff  }
0x184: {  	v24 =	vld.idx.msk [tilespmem:v25+s2+$0x0], $0xffff;
	[tilespmem:s19+$0x30] =	vst v11;
	v11 =	vshll.u32 v22, $0x3;
	v25 =	vor.u32 v5, v14  }
0x185: {  	v28 =	vor.u32 v5, v16;
	v22 =	vand.u32 $0x7C, v22;
	v19 =	vld.idx.msk [tilespmem:v19+s2+$0x0], $0xffff;
	v11 =	vand.u32 $0x400, v11  }
0x186: {  	s18 =	simm.s32 $0x8300;
	[tilespmem:s19+$0xFFFFFF30] =	vst v20;
	v11 =	vor.u32 v22, v11;
	v22 =	vor.u32 v5, v17;
	v20 =	vld.idx.msk [tilespmem:v26+s2+$0x0], $0xffff  }
0x187: {  	v26 =	vor.u32 v0, v11;
	[tilespmem:s18+$0xFFFFFF80] =	vst v27;
	v29 =	vld.idx.msk [tilespmem:v15+s2+$0x0], $0xffff  }
0x188: {  	v30 =	vor.u32 v1, v13;
	v23 =	vld.idx.msk [tilespmem:v23+s2+$0x0], $0xffff;
	[tilespmem:s19+$0xC0] =	vst v21  }
0x189: {  	v21 =	vor.u32 v1, v9;
	[tilespmem:s19+$0xFFFFFFC0] =	vst v24;
	v24 =	vld.idx.msk [tilespmem:v25+s2+$0x0], $0xffff  }
0x18a: {  	v27 =	vor.u32 v5, v12;
	v28 =	vld.idx.msk [tilespmem:v28+s2+$0x0], $0xffff;
	[tilespmem:s19+$0x40] =	vst v19  }
0x18b: {  	v25 =	vor.u32 v1, v10;
	v19 =	vld.idx.msk [tilespmem:v22+s2+$0x0], $0xffff  }
0x18c: {  	v22 =	vor.u32 v6, v14;
	v15 =	vld.idx.msk [tilespmem:v26+s2+$0x0], $0xffff;
	[tilespmem:s18+$0x80] =	vst v20  }
0x18d: {  	v26 =	vor.u32 v1, v8;
	v20 =	vld.idx.msk [tilespmem:v30+s2+$0x0], $0xffff;
	[tilespmem:s18+$0x0] =	vst v23  }
0x18e: {  	v23 =	vor.u32 v6, v16;
	[tilespmem:s19+$0xFFFFFF40] =	vst v29;
	v21 =	vld.idx.msk [tilespmem:v21+s2+$0x0], $0xffff  }
0x18f: {  	v30 =	vor.u32 v2, v13;
	v27 =	vld.idx.msk [tilespmem:v27+s2+$0x0], $0xffff  }
0x190: {  	v25 =	vld.idx.msk [tilespmem:v25+s2+$0x0], $0xffff;
	[tilespmem:s19+$0xD0] =	vst v24;
	v24 =	vor.u32 v2, v9  }
0x191: {  	v31 =	vor.u32 v2, v10;
	[tilespmem:s18+$0xFFFFFF00] =	vst v18;
	v22 =	vld.idx.msk [tilespmem:v22+s2+$0x0], $0xffff  }
0x192: {  	v14 =	vor.u32 v7, v14;
	[tilespmem:s19+$0xFFFFFFD0] =	vst v28;
	v26 =	vld.idx.msk [tilespmem:v26+s2+$0x0], $0xffff  }
0x193: {  	[tilespmem:s18+$0x90] =	vst v20;
	v18 =	vld.idx.msk [tilespmem:v23+s2+$0x0], $0xffff  }
0x194: {  	v28 =	vor.u32 v2, v8;
	[tilespmem:s18+$0xFFFFFF90] =	vst v21;
	v20 =	vld.idx.msk [tilespmem:v30+s2+$0x0], $0xffff  }
0x195: {  	s21 =	simm.s32 $0x9;
	v21 =	vor.u32 v6, v17;
	v23 =	vld.idx.msk [tilespmem:v24+s2+$0x0], $0xffff;
	[tilespmem:s18+$0x10] =	vst v25  }
0x196: {  	v29 =	vor.u32 v6, v12;
	v30 =	vld.idx.msk [tilespmem:v31+s2+$0x0], $0xffff;
	[tilespmem:s19+$0xE0] =	vst v22;
	v22 =	vmov s21  }
0x197: {  	[tilespmem:s19+$0x50] =	vst v19;
	v31 =	vor.u32 v3, v13;
	v25 =	vld.idx.msk [tilespmem:v14+s2+$0x0], $0xffff;
	v14 =	vshll.u32 v22, $0x3  }
0x198: {  	v32 =	vor.u32 v3, v9;
	[tilespmem:s18+$0xFFFFFF10] =	vst v26;
	v19 =	vand.u32 $0x7D, v22;
	v14 =	vand.u32 $0x400, v14  }
0x199: {  	[tilespmem:s19+$0xFFFFFF50] =	vst v27;
	v24 =	vld.idx.msk [tilespmem:v28+s2+$0x0], $0xffff;
	v28 =	vor.u32 v3, v10;
	v14 =	vor.u32 v19, v14  }
0x19a: {  	v21 =	vld.idx.msk [tilespmem:v21+s2+$0x0], $0xffff;
	[tilespmem:s18+$0xA0] =	vst v20;
	v20 =	vor.u32 v0, v14  }
0x19b: {  	v27 =	vor.u32 v3, v8;
	v19 =	vld.idx.msk [tilespmem:v29+s2+$0x0], $0xffff  }
0x19c: {  	v26 =	vor.u32 v7, v16;
	[tilespmem:s18+$0xFFFFFFA0] =	vst v23;
	v22 =	vld.idx.msk [tilespmem:v31+s2+$0x0], $0xffff  }
0x19d: {  	s22 =	simm.s32 $0xB;
	v17 =	vor.u32 v7, v17;
	s21 =	simm.s32 $0xC;
	v23 =	vld.idx.msk [tilespmem:v32+s2+$0x0], $0xffff;
	[tilespmem:s18+$0x20] =	vst v30  }
.LBB2_6:
0x19e: {  	p0 =	slt.u32 s21, $0xFC;
	s23 =	sadd.s32 $0x2, s20;
	v16 =	vmov s22;
	v28 =	vld.idx.msk [tilespmem:v28+s2+$0x0], $0xffff;
	v29 =	vor.u32 v4, v13;
	[tilespmem:s19+$0xF0] =	vst v25;
	s20 =	smov.u32 s21  }
0x19f: {  	v20 =	vld.idx.msk [tilespmem:v20+s2+$0x0], $0xffff;
	v25 =	vmov s23;
	v30 =	vshll.u32 v16, $0x3;
	[tilespmem:s18+$0xFFFFFF20] =	vst v24;
	v24 =	vor.u32 v4, v9  }
0x1a0: {  	v31 =	vor.u32 v4, v10;
	v16 =	vand.u32 $0x7F, v16;
	v30 =	vand.u32 $0x400, v30;
	v27 =	vld.idx.msk [tilespmem:v27+s2+$0x0], $0xffff;
	[tilespmem:s19+$0xFFFFFFE0] =	vst v18  }
0x1a1: {  	v18 =	vshll.u32 v25, $0x3;
	v16 =	vor.u32 v16, v30;
	v30 =	vor.u32 v7, v12;
	v26 =	vld.idx.msk [tilespmem:v26+s2+$0x0], $0xffff;
	[tilespmem:s19+$0x60] =	vst v21  }
0x1a2: {  	v21 =	vand.u32 $0x7E, v25;
	v18 =	vand.u32 $0x400, v18;
	v12 =	vmovc v8;
	v25 =	vor.u32 v0, v16;
	[tilespmem:s18+$0xB0] =	vst v22;
	v17 =	vld.idx.msk [tilespmem:v17+s2+$0x0], $0xffff  }
0x1a3: {  	v8 =	vmov v11;
	v32 =	vor.u32 v21, v18;
	v18 =	vor.u32 v4, v12;
	[tilespmem:s18+$0xFFFFFFB0] =	vst v23;
	v21 =	vld.idx.msk [tilespmem:v29+s2+$0x0], $0xffff  }
0x1a4: {  	v11 =	vmov s21;
	v22 =	vor.u32 v0, v32;
	v23 =	vld.idx.msk [tilespmem:v24+s2+$0x0], $0xffff;
	[tilespmem:s18+$0x30] =	vst v28  }
0x1a5: {  	v29 =	vor.u32 v5, v13;
	v24 =	vshll.u32 v11, $0x3;
	v28 =	vld.idx.msk [tilespmem:v31+s2+$0x0], $0xffff;
	[tilespmem:s19+$0xFFFFFF60] =	vst v19  }
0x1a6: {  	v11 =	vand.u32 $0x7C, v11;
	v19 =	vand.u32 $0x400, v24;
	v24 =	vor.u32 v5, v9;
	[tilespmem:s18+$0xFFFFFF30] =	vst v27;
	v27 =	vld.idx.msk [tilespmem:v30+s2+$0x0], $0xffff  }
0x1a7: {  	v11 =	vor.u32 v11, v19;
	v19 =	vld.idx.msk [tilespmem:v25+s2+$0x0], $0xffff;
	v25 =	vor.u32 v5, v10;
	[tilespmem:s19+$0xFFFFFFF0] =	vst v26  }
0x1a8: {  	v26 =	vor.u32 v0, v11;
	v18 =	vld.idx.msk [tilespmem:v18+s2+$0x0], $0xffff;
	[tilespmem:s19+$0x70] =	vst v17  }
0x1a9: {  	v17 =	vld.idx.msk [tilespmem:v22+s2+$0x0], $0xffff;
	v22 =	vor.u32 v1, v16;
	[tilespmem:s18+$0xC0] =	vst v21  }
0x1aa: {  	v21 =	vor.u32 v1, v14;
	[tilespmem:s18+$0xFFFFFFC0] =	vst v23;
	v23 =	vld.idx.msk [tilespmem:v29+s2+$0x0], $0xffff  }
0x1ab: {  	v29 =	vor.u32 v1, v32;
	v24 =	vld.idx.msk [tilespmem:v24+s2+$0x0], $0xffff;
	[tilespmem:s18+$0x40] =	vst v28  }
0x1ac: {  	v30 =	vld.idx.msk [tilespmem:v25+s2+$0x0], $0xffff;
	v25 =	vor.u32 v6, v13;
	[tilespmem:s19+$0xFFFFFF70] =	vst v27;
	s19 =	smov.u32 s18;
	s18 =	sadd.s32 $0x200, s18  }
0x1ad: {  	v27 =	vor.u32 v1, v8;
	v26 =	vld.idx.msk [tilespmem:v26+s2+$0x0], $0xffff;
	[tilespmem:s18+$0x80] =	vst v19  }
0x1ae: {  	[tilespmem:s18+$0xFFFFFF80] =	vst v20;
	v19 =	vld.idx.msk [tilespmem:v22+s2+$0x0], $0xffff;
	v20 =	vor.u32 v5, v12  }
0x1af: {  	v21 =	vld.idx.msk [tilespmem:v21+s2+$0x0], $0xffff;
	[tilespmem:s18+$0x0] =	vst v17;
	v17 =	vor.u32 v6, v9  }
0x1b0: {  	v28 =	vor.u32 v2, v16;
	v22 =	vld.idx.msk [tilespmem:v29+s2+$0x0], $0xffff;
	[tilespmem:s19+$0xD0] =	vst v23  }
0x1b1: {  	v23 =	vor.u32 v2, v14;
	[tilespmem:s18+$0xFFFFFF00] =	vst v15;
	v25 =	vld.idx.msk [tilespmem:v25+s2+$0x0], $0xffff  }
0x1b2: {  	v29 =	vor.u32 v2, v32;
	v27 =	vld.idx.msk [tilespmem:v27+s2+$0x0], $0xffff;
	[tilespmem:s19+$0xFFFFFF40] =	vst v18  }
0x1b3: {  	v15 =	vmov v26;
	v31 =	vld.idx.msk [tilespmem:v20+s2+$0x0], $0xffff;
	[tilespmem:s19+$0xFFFFFFD0] =	vst v24;
	v20 =	vor.u32 v7, v13;
	v13 =	vmov v16  }
0x1b4: {  	v16 =	vor.u32 v2, v8;
	[tilespmem:s18+$0x90] =	vst v19;
	v18 =	vld.idx.msk [tilespmem:v17+s2+$0x0], $0xffff  }
0x1b5: {  	s22 =	sadd.s32 $0x1, s21;
	v19 =	vor.u32 v6, v10;
	[tilespmem:s18+$0xFFFFFF90] =	vst v21;
	v17 =	vld.idx.msk [tilespmem:v28+s2+$0x0], $0xffff  }
0x1b6: {  	v21 =	vmov s22;
	v23 =	vld.idx.msk [tilespmem:v23+s2+$0x0], $0xffff;
	[tilespmem:s18+$0x10] =	vst v22;
	v22 =	vor.u32 v6, v12  }
0x1b7: {  	v26 =	vor.u32 v3, v13;
	v24 =	vshll.u32 v21, $0x3;
	v29 =	vld.idx.msk [tilespmem:v29+s2+$0x0], $0xffff;
	[tilespmem:s19+$0xE0] =	vst v25  }
0x1b8: {  	v33 =	vor.u32 v3, v14;
	v21 =	vand.u32 $0x7D, v21;
	v24 =	vand.u32 $0x400, v24;
	[tilespmem:s18+$0xFFFFFF10] =	vst v27;
	v25 =	vld.idx.msk [tilespmem:v20+s2+$0x0], $0xffff  }
.Ltmp2:
0x1b9: {  	v28 =	vor.u32 v3, v32;
	v34 =	vor.u32 v21, v24;
	v24 =	vld.idx.msk [tilespmem:v16+s2+$0x0], $0xffff;
	[tilespmem:s19+$0x50] =	vst v30;
	(pc) =	sbr.rel @p0 .LBB2_6-.Ltmp2, $4  }
0x1ba: {  	v20 =	vor.u32 v0, v34;
	[tilespmem:s19+$0xFFFFFF50] =	vst v31;
	v21 =	vld.idx.msk [tilespmem:v19+s2+$0x0], $0xffff  }
0x1bb: {  	v27 =	vor.u32 v3, v8;
	[tilespmem:s18+$0xA0] =	vst v17;
	v19 =	vld.idx.msk [tilespmem:v22+s2+$0x0], $0xffff  }
0x1bc: {  	[tilespmem:s18+$0xFFFFFFA0] =	vst v23;
	v22 =	vld.idx.msk [tilespmem:v26+s2+$0x0], $0xffff;
	v26 =	vor.u32 v7, v9;
	v9 =	vmov v14;
	v14 =	vmov v34  }
0x1bd: {  	s21 =	sadd.s32 $0x4, s21;
	s22 =	sadd.s32 $0x3, s20;
	v17 =	vor.u32 v7, v10;
	v10 =	vmov v32;
	v23 =	vld.idx.msk [tilespmem:v33+s2+$0x0], $0xffff;
	[tilespmem:s18+$0x20] =	vst v29  }
0x1be: {  	_ =	sdelay $0x2  }
0x1bf: {  	v16 =	vmov s22;
	[tilespmem:s19+$0xF0] =	vst v25  }
0x1c0: {  	s20 =	sadd.s32 $0x2, s20;
	v25 =	vld.idx.msk [tilespmem:v28+s2+$0x0], $0xffff;
	v28 =	vor.u32 v4, v13;
	[tilespmem:s18+$0xFFFFFF20] =	vst v24;
	v24 =	vor.u32 v4, v9;
	v30 =	vshll.u32 v16, $0x3  }
0x1c1: {  	[tilespmem:s19+$0xFFFFFFE0] =	vst v18;
	v29 =	vmov s20;
	v16 =	vand.u32 $0x7F, v16;
	v30 =	vand.u32 $0x400, v30  }
0x1c2: {  	v18 =	vld.idx.msk [tilespmem:v27+s2+$0x0], $0xffff;
	v27 =	vor.u32 v4, v10;
	[tilespmem:s19+$0x60] =	vst v21;
	v31 =	vshll.u32 v29, $0x3;
	v16 =	vor.u32 v16, v30  }
0x1c3: {  	v21 =	vld.idx.msk [tilespmem:v26+s2+$0x0], $0xffff;
	v26 =	vand.u32 $0x7E, v29;
	[tilespmem:s19+$0xFFFFFF60] =	vst v19;
	v29 =	vand.u32 $0x400, v31;
	v30 =	vor.u32 v0, v16  }
0x1c4: {  	[tilespmem:s18+$0xB0] =	vst v22;
	v22 =	vld.idx.msk [tilespmem:v17+s2+$0x0], $0xffff;
	v17 =	vor.u32 v26, v29  }
0x1c5: {  	[tilespmem:s18+$0xFFFFFFB0] =	vst v23;
	v23 =	vld.idx.msk [tilespmem:v28+s2+$0x0], $0xffff;
	v26 =	vor.u32 v0, v17  }
0x1c6: {  	[tilespmem:s18+$0x30] =	vst v25;
	v24 =	vld.idx.msk [tilespmem:v24+s2+$0x0], $0xffff  }
0x1c7: {  	v12 =	vor.u32 v7, v12;
	v19 =	vld.idx.msk [tilespmem:v27+s2+$0x0], $0xffff;
	[tilespmem:s18+$0xFFFFFF30] =	vst v18  }
0x1c8: {  	v18 =	vor.u32 v5, v13;
	[tilespmem:s19+$0xFFFFFFF0] =	vst v21;
	v25 =	vld.idx.msk [tilespmem:v30+s2+$0x0], $0xffff  }
0x1c9: {  	v20 =	vld.idx.msk [tilespmem:v20+s2+$0x0], $0xffff;
	v21 =	vor.u32 v1, v16;
	[tilespmem:s19+$0x70] =	vst v22  }
0x1ca: {  	v22 =	vld.idx.msk [tilespmem:v26+s2+$0x0], $0xffff;
	[tilespmem:s18+$0xC0] =	vst v23;
	v23 =	vor.u32 v1, v14  }
0x1cb: {  	[tilespmem:s18+$0xFFFFFFC0] =	vst v24;
	v24 =	vor.u32 v1, v17  }
0x1cc: {  	s22 =	sadd.s32 $0x200, s18;
	v12 =	vld.idx.msk [tilespmem:v12+s2+$0x0], $0xffff;
	[tilespmem:s18+$0x40] =	vst v19;
	v19 =	vor.u32 v1, v11  }
0x1cd: {  	v26 =	vor.u32 v4, v8;
	v18 =	vld.idx.msk [tilespmem:v18+s2+$0x0], $0xffff;
	[tilespmem:s22+$0x80] =	vst v25  }
0x1ce: {  	[tilespmem:s22+$0xFFFFFF80] =	vst v20;
	v25 =	vor.u32 v5, v9;
	v20 =	vld.idx.msk [tilespmem:v21+s2+$0x0], $0xffff  }
0x1cf: {  	v21 =	vld.idx.msk [tilespmem:v23+s2+$0x0], $0xffff;
	[tilespmem:s22+$0x0] =	vst v22;
	v22 =	vor.u32 v2, v16  }
0x1d0: {  	[tilespmem:s22+$0xFFFFFF00] =	vst v15;
	v15 =	vor.u32 v2, v14;
	v23 =	vld.idx.msk [tilespmem:v24+s2+$0x0], $0xffff  }
0x1d1: {  	[tilespmem:s19+$0xFFFFFF70] =	vst v12;
	v12 =	vld.idx.msk [tilespmem:v19+s2+$0x0], $0xffff;
	v19 =	vor.u32 v2, v17  }
0x1d2: {  	v24 =	vld.idx.msk [tilespmem:v26+s2+$0x0], $0xffff;
	[tilespmem:s18+$0xD0] =	vst v18;
	v18 =	vor.u32 v2, v11  }
0x1d3: {  	v26 =	vor.u32 v6, v13;
	v25 =	vld.idx.msk [tilespmem:v25+s2+$0x0], $0xffff;
	[tilespmem:s22+$0x90] =	vst v20  }
0x1d4: {  	v20 =	vor.u32 v5, v10;
	[tilespmem:s22+$0xFFFFFF90] =	vst v21;
	v21 =	vld.idx.msk [tilespmem:v22+s2+$0x0], $0xffff  }
0x1d5: {  	v15 =	vld.idx.msk [tilespmem:v15+s2+$0x0], $0xffff;
	[tilespmem:s22+$0x10] =	vst v23;
	v22 =	vor.u32 v3, v16  }
0x1d6: {  	[tilespmem:s22+$0xFFFFFF10] =	vst v12;
	v12 =	vor.u32 v3, v14;
	v19 =	vld.idx.msk [tilespmem:v19+s2+$0x0], $0xffff  }
0x1d7: {  	[tilespmem:s18+$0xFFFFFF40] =	vst v24;
	v23 =	vor.u32 v3, v17;
	v18 =	vld.idx.msk [tilespmem:v18+s2+$0x0], $0xffff  }
0x1d8: {  	v24 =	vld.idx.msk [tilespmem:v26+s2+$0x0], $0xffff;
	[tilespmem:s18+$0xFFFFFFD0] =	vst v25;
	v25 =	vor.u32 v3, v11  }
0x1d9: {  	v26 =	vor.u32 v5, v8;
	v20 =	vld.idx.msk [tilespmem:v20+s2+$0x0], $0xffff;
	[tilespmem:s22+$0xA0] =	vst v21  }
0x1da: {  	v13 =	vor.u32 v7, v13;
	[tilespmem:s22+$0xFFFFFFA0] =	vst v15;
	v15 =	vld.idx.msk [tilespmem:v22+s2+$0x0], $0xffff  }
0x1db: {  	v12 =	vld.idx.msk [tilespmem:v12+s2+$0x0], $0xffff;
	[tilespmem:s22+$0x20] =	vst v19;
	v19 =	vor.u32 v4, v16  }
0x1dc: {  	[tilespmem:s22+$0xFFFFFF20] =	vst v18;
	v18 =	vor.u32 v4, v14;
	v21 =	vld.idx.msk [tilespmem:v23+s2+$0x0], $0xffff  }
0x1dd: {  	[tilespmem:s18+$0xE0] =	vst v24;
	v23 =	vor.u32 v4, v17;
	v22 =	vld.idx.msk [tilespmem:v25+s2+$0x0], $0xffff  }
0x1de: {  	v24 =	vld.idx.msk [tilespmem:v26+s2+$0x0], $0xffff;
	[tilespmem:s18+$0x50] =	vst v20;
	v20 =	vor.u32 v4, v11  }
0x1df: {  	v13 =	vld.idx.msk [tilespmem:v13+s2+$0x0], $0xffff;
	v25 =	vor.u32 v6, v9;
	[tilespmem:s22+$0xB0] =	vst v15  }
0x1e0: {  	v15 =	vor.u32 v6, v10;
	[tilespmem:s22+$0xFFFFFFB0] =	vst v12;
	v12 =	vld.idx.msk [tilespmem:v19+s2+$0x0], $0xffff  }
0x1e1: {  	v18 =	vld.idx.msk [tilespmem:v18+s2+$0x0], $0xffff;
	[tilespmem:s22+$0x30] =	vst v21;
	v19 =	vor.u32 v5, v16  }
0x1e2: {  	v21 =	vld.idx.msk [tilespmem:v23+s2+$0x0], $0xffff;
	[tilespmem:s22+$0xFFFFFF30] =	vst v22;
	v22 =	vor.u32 v5, v14  }
0x1e3: {  	[tilespmem:s18+$0xFFFFFF50] =	vst v24;
	v23 =	vor.u32 v5, v17;
	v20 =	vld.idx.msk [tilespmem:v20+s2+$0x0], $0xffff  }
0x1e4: {  	[tilespmem:s18+$0xF0] =	vst v13;
	v13 =	vor.u32 v5, v11;
	v24 =	vld.idx.msk [tilespmem:v25+s2+$0x0], $0xffff  }
0x1e5: {  	v25 =	vor.u32 v6, v8;
	v15 =	vld.idx.msk [tilespmem:v15+s2+$0x0], $0xffff;
	[tilespmem:s22+$0xC0] =	vst v12  }
0x1e6: {  	v9 =	vor.u32 v7, v9;
	[tilespmem:s22+$0xFFFFFFC0] =	vst v18;
	v12 =	vld.idx.msk [tilespmem:v19+s2+$0x0], $0xffff  }
0x1e7: {  	v18 =	vld.idx.msk [tilespmem:v22+s2+$0x0], $0xffff;
	[tilespmem:s22+$0x40] =	vst v21;
	v19 =	vor.u32 v6, v16  }
0x1e8: {  	v22 =	vor.u32 v6, v14;
	v21 =	vld.idx.msk [tilespmem:v23+s2+$0x0], $0xffff;
	[tilespmem:s22+$0xFFFFFF40] =	vst v20  }
0x1e9: {  	[tilespmem:s18+$0xFFFFFFE0] =	vst v24;
	v20 =	vor.u32 v6, v17;
	v13 =	vld.idx.msk [tilespmem:v13+s2+$0x0], $0xffff  }
0x1ea: {  	v23 =	vld.idx.msk [tilespmem:v25+s2+$0x0], $0xffff;
	[tilespmem:s18+$0x60] =	vst v15;
	v15 =	vor.u32 v6, v11  }
0x1eb: {  	v10 =	vor.u32 v7, v10;
	v9 =	vld.idx.msk [tilespmem:v9+s2+$0x0], $0xffff;
	[tilespmem:s22+$0xD0] =	vst v12  }
0x1ec: {  	v8 =	vor.u32 v7, v8;
	[tilespmem:s22+$0xFFFFFFD0] =	vst v18;
	v12 =	vld.idx.msk [tilespmem:v19+s2+$0x0], $0xffff  }
0x1ed: {  	v16 =	vor.u32 v7, v16;
	v18 =	vld.idx.msk [tilespmem:v22+s2+$0x0], $0xffff;
	[tilespmem:s22+$0x50] =	vst v21  }
0x1ee: {  	v14 =	vor.u32 v7, v14;
	[tilespmem:s22+$0xFFFFFF50] =	vst v13;
	v13 =	vld.idx.msk [tilespmem:v20+s2+$0x0], $0xffff  }
0x1ef: {  	v17 =	vor.u32 v7, v17;
	[tilespmem:s18+$0xFFFFFF60] =	vst v23;
	v15 =	vld.idx.msk [tilespmem:v15+s2+$0x0], $0xffff  }
0x1f0: {  	v10 =	vld.idx.msk [tilespmem:v10+s2+$0x0], $0xffff;
	[tilespmem:s18+$0xFFFFFFF0] =	vst v9;
	v9 =	vor.u32 v7, v11  }
0x1f1: {  	v8 =	vld.idx.msk [tilespmem:v8+s2+$0x0], $0xffff;
	[tilespmem:s22+$0xE0] =	vst v12  }
0x1f2: {  	[tilespmem:s22+$0xFFFFFFE0] =	vst v18;
	v11 =	vld.idx.msk [tilespmem:v16+s2+$0x0], $0xffff  }
0x1f3: {  	v12 =	vld.idx.msk [tilespmem:v14+s2+$0x0], $0xffff;
	[tilespmem:s22+$0x60] =	vst v13  }
0x1f4: {  	v13 =	vld.idx.msk [tilespmem:v17+s2+$0x0], $0xffff;
	[tilespmem:s22+$0xFFFFFF60] =	vst v15  }
0x1f5: {  	[tilespmem:s18+$0x70] =	vst v10;
	v9 =	vld.idx.msk [tilespmem:v9+s2+$0x0], $0xffff  }
0x1f6: {  	[tilespmem:s18+$0xFFFFFF70] =	vst v8  }
0x1f7: {  	s23 =	simm.s32 $0x1;
	[tilespmem:s22+$0xF0] =	vst v11  }
0x1f8: {  	v8 =	vmov s23;
	[tilespmem:s22+$0xFFFFFFF0] =	vst v12  }
0x1f9: {  	s25 =	simm.s32 $0x3;
	v10 =	vshll.u32 v8, $0x3;
	[tilespmem:s22+$0x70] =	vst v13  }
0x1fa: {  	s26 =	simm.s32 $0x2;
	v8 =	vand.u32 $0x7D, v8;
	v10 =	vand.u32 $0x400, v10;
	v11 =	vmov s25;
	[tilespmem:s22+$0xFFFFFF70] =	vst v9  }
0x1fb: {  	v16 =	vor.u32 v8, v10;
	v12 =	vshll.u32 v11, $0x3;
	[hbm4b:s8+s15] =	stream.strided.scatter [tilespmem:s16], [sflag:$0x1], $0x8000, s16, s15, $0x38;
	[tilespmem:$0x10000] =	vst v63  }
0x1fc: {  	s24 =	simm.s32 $0x0;
	v13 =	vmov s26;
	v11 =	vand.u32 $0x7F, v11;
	v12 =	vand.u32 $0x400, v12;
	_ =	swait.ge [sflag:s14], $0x8000  }
0x1fd: {  	v9 =	vmov s24;
	v8 =	vshll.u32 v13, $0x3;
	v14 =	vor.u32 v11, v12;
	[sflag:s14] =	ssyncset.done $0x0  }
0x1fe: {  	v10 =	vand.u32 $0x7E, v13;
	v8 =	vand.u32 $0x400, v8;
	v11 =	vor.u32 v0, v14;
	[sflag:s14] =	ssyncadd.s32 $0xFFFF8000  }
0x1ff: {  	v13 =	vor.u32 v0, v16;
	v12 =	vshll.u32 v9, $0x3;
	v17 =	vor.u32 v10, v8;
	[tilespmem:s24], [sflag:$0x1] =	stream.strided.gather [hbm4b:s9+s12], $0x8000, s13, s12, $0x38;
	[tilespmem:$0x10000] =	vst v63  }
0x200: {  	v8 =	vand.u32 $0x7C, v9;
	v9 =	vand.u32 $0x400, v12;
	v10 =	vor.u32 v0, v17;
	_ =	swait.ge [sflag:s14], $0x8000  }
0x201: {  	v12 =	vor.u32 v8, v9;
	[sflag:s14] =	ssyncset.done $0x0  }
0x202: {  	v8 =	vor.u32 v0, v12;
	[sflag:s14] =	ssyncadd.s32 $0xFFFF8000  }
0x203: {  	v9 =	vld.idx.msk [tilespmem:v11+s2+$0x0], $0xffff  }
0x204: {  	v11 =	vld.idx.msk [tilespmem:v13+s2+$0x0], $0xffff;
	v13 =	vor.u32 v1, v14  }
0x205: {  	v15 =	vor.u32 v1, v16;
	v10 =	vld.idx.msk [tilespmem:v10+s2+$0x0], $0xffff  }
0x206: {  	v18 =	vor.u32 v1, v17  }
0x207: {  	s19 =	simm.s32 $0x8100;
	v8 =	vld.idx.msk [tilespmem:v8+s2+$0x0], $0xffff  }
0x208: {  	v19 =	vor.u32 v1, v12;
	[tilespmem:s19+$0x80] =	vst v9  }
0x209: {  	[tilespmem:s19+$0xFFFFFF80] =	vst v11;
	v9 =	vld.idx.msk [tilespmem:v13+s2+$0x0], $0xffff  }
0x20a: {  	[tilespmem:s19+$0x0] =	vst v10;
	v10 =	vor.u32 v2, v14;
	v11 =	vld.idx.msk [tilespmem:v15+s2+$0x0], $0xffff  }
0x20b: {  	v13 =	vld.idx.msk [tilespmem:v18+s2+$0x0], $0xffff;
	v15 =	vor.u32 v2, v16  }
0x20c: {  	[tilespmem:s19+$0xFFFFFF00] =	vst v8;
	v8 =	vor.u32 v2, v17  }
0x20d: {  	v18 =	vld.idx.msk [tilespmem:v19+s2+$0x0], $0xffff  }
0x20e: {  	s28 =	simm.s32 $0x4;
	v19 =	vor.u32 v2, v12;
	[tilespmem:s19+$0x90] =	vst v9  }
0x20f: {  	s29 =	simm.s32 $0x5;
	v9 =	vmov s28;
	[tilespmem:s19+$0xFFFFFF90] =	vst v11;
	v10 =	vld.idx.msk [tilespmem:v10+s2+$0x0], $0xffff  }
0x210: {  	v20 =	vmov s29;
	[tilespmem:s19+$0x10] =	vst v13;
	v13 =	vor.u32 v3, v14;
	v11 =	vshll.u32 v9, $0x3;
	v15 =	vld.idx.msk [tilespmem:v15+s2+$0x0], $0xffff  }
0x211: {  	v22 =	vor.u32 v3, v16;
	v9 =	vand.u32 $0x7C, v9;
	v21 =	vld.idx.msk [tilespmem:v8+s2+$0x0], $0xffff;
	v11 =	vand.u32 $0x400, v11  }
0x212: {  	[tilespmem:s19+$0xFFFFFF10] =	vst v18;
	v8 =	vor.u32 v9, v11;
	v9 =	vshll.u32 v20, $0x3;
	v11 =	vor.u32 v3, v17  }
0x213: {  	v19 =	vld.idx.msk [tilespmem:v19+s2+$0x0], $0xffff;
	v20 =	vand.u32 $0x7D, v20;
	v18 =	vor.u32 v0, v8;
	v9 =	vand.u32 $0x400, v9  }
0x214: {  	s30 =	simm.s32 $0x7;
	v9 =	vor.u32 v20, v9;
	v20 =	vor.u32 v3, v12;
	[tilespmem:s19+$0xA0] =	vst v10  }
0x215: {  	s31 =	simm.s32 $0x6;
	v10 =	vor.u32 v0, v9;
	[tilespmem:s19+$0xFFFFFFA0] =	vst v15;
	v15 =	vld.idx.msk [tilespmem:v13+s2+$0x0], $0xffff;
	v13 =	vmov s30  }
0x216: {  	v23 =	vmov s31;
	[tilespmem:s19+$0x20] =	vst v21;
	v21 =	vor.u32 v4, v14;
	v22 =	vld.idx.msk [tilespmem:v22+s2+$0x0], $0xffff;
	v24 =	vshll.u32 v13, $0x3  }
0x217: {  	v25 =	vor.u32 v4, v16;
	v11 =	vld.idx.msk [tilespmem:v11+s2+$0x0], $0xffff;
	v13 =	vand.u32 $0x7F, v13;
	v24 =	vand.u32 $0x400, v24  }
0x218: {  	v26 =	vshll.u32 v23, $0x3;
	[tilespmem:s19+$0xFFFFFF20] =	vst v19;
	v19 =	vor.u32 v4, v17;
	v18 =	vld.idx.msk [tilespmem:v18+s2+$0x0], $0xffff;
	v13 =	vor.u32 v13, v24  }
0x219: {  	v23 =	vand.u32 $0x7E, v23;
	v20 =	vld.idx.msk [tilespmem:v20+s2+$0x0], $0xffff;
	v24 =	vand.u32 $0x400, v26;
	v26 =	vor.u32 v0, v13  }
0x21a: {  	s20 =	simm.s32 $0x8;
	v27 =	vld.idx.msk [tilespmem:v10+s2+$0x0], $0xffff;
	v10 =	vor.u32 v23, v24;
	[tilespmem:s19+$0xB0] =	vst v15;
	v15 =	vor.u32 v4, v12  }
0x21b: {  	[tilespmem:s19+$0xFFFFFFB0] =	vst v22;
	v22 =	vmov s20;
	v23 =	vor.u32 v0, v10;
	v21 =	vld.idx.msk [tilespmem:v21+s2+$0x0], $0xffff  }
0x21c: {  	v24 =	vld.idx.msk [tilespmem:v25+s2+$0x0], $0xffff;
	[tilespmem:s19+$0x30] =	vst v11;
	v11 =	vshll.u32 v22, $0x3;
	v25 =	vor.u32 v5, v14  }
0x21d: {  	v28 =	vor.u32 v5, v16;
	v22 =	vand.u32 $0x7C, v22;
	v19 =	vld.idx.msk [tilespmem:v19+s2+$0x0], $0xffff;
	v11 =	vand.u32 $0x400, v11  }
0x21e: {  	s18 =	simm.s32 $0x8300;
	[tilespmem:s19+$0xFFFFFF30] =	vst v20;
	v11 =	vor.u32 v22, v11;
	v22 =	vor.u32 v5, v17;
	v20 =	vld.idx.msk [tilespmem:v26+s2+$0x0], $0xffff  }
0x21f: {  	v26 =	vor.u32 v0, v11;
	[tilespmem:s18+$0xFFFFFF80] =	vst v27;
	v29 =	vld.idx.msk [tilespmem:v15+s2+$0x0], $0xffff  }
0x220: {  	v30 =	vor.u32 v1, v13;
	v23 =	vld.idx.msk [tilespmem:v23+s2+$0x0], $0xffff;
	[tilespmem:s19+$0xC0] =	vst v21  }
0x221: {  	v21 =	vor.u32 v1, v9;
	[tilespmem:s19+$0xFFFFFFC0] =	vst v24;
	v24 =	vld.idx.msk [tilespmem:v25+s2+$0x0], $0xffff  }
0x222: {  	v27 =	vor.u32 v5, v12;
	v28 =	vld.idx.msk [tilespmem:v28+s2+$0x0], $0xffff;
	[tilespmem:s19+$0x40] =	vst v19  }
0x223: {  	v25 =	vor.u32 v1, v10;
	v19 =	vld.idx.msk [tilespmem:v22+s2+$0x0], $0xffff  }
0x224: {  	v22 =	vor.u32 v6, v14;
	v15 =	vld.idx.msk [tilespmem:v26+s2+$0x0], $0xffff;
	[tilespmem:s18+$0x80] =	vst v20  }
0x225: {  	v26 =	vor.u32 v1, v8;
	v20 =	vld.idx.msk [tilespmem:v30+s2+$0x0], $0xffff;
	[tilespmem:s18+$0x0] =	vst v23  }
0x226: {  	v23 =	vor.u32 v6, v16;
	[tilespmem:s19+$0xFFFFFF40] =	vst v29;
	v21 =	vld.idx.msk [tilespmem:v21+s2+$0x0], $0xffff  }
0x227: {  	v30 =	vor.u32 v2, v13;
	v27 =	vld.idx.msk [tilespmem:v27+s2+$0x0], $0xffff  }
0x228: {  	v25 =	vld.idx.msk [tilespmem:v25+s2+$0x0], $0xffff;
	[tilespmem:s19+$0xD0] =	vst v24;
	v24 =	vor.u32 v2, v9  }
0x229: {  	v31 =	vor.u32 v2, v10;
	[tilespmem:s18+$0xFFFFFF00] =	vst v18;
	v22 =	vld.idx.msk [tilespmem:v22+s2+$0x0], $0xffff  }
0x22a: {  	v14 =	vor.u32 v7, v14;
	[tilespmem:s19+$0xFFFFFFD0] =	vst v28;
	v26 =	vld.idx.msk [tilespmem:v26+s2+$0x0], $0xffff  }
0x22b: {  	[tilespmem:s18+$0x90] =	vst v20;
	v18 =	vld.idx.msk [tilespmem:v23+s2+$0x0], $0xffff  }
0x22c: {  	v28 =	vor.u32 v2, v8;
	[tilespmem:s18+$0xFFFFFF90] =	vst v21;
	v20 =	vld.idx.msk [tilespmem:v30+s2+$0x0], $0xffff  }
0x22d: {  	s21 =	simm.s32 $0x9;
	v21 =	vor.u32 v6, v17;
	v23 =	vld.idx.msk [tilespmem:v24+s2+$0x0], $0xffff;
	[tilespmem:s18+$0x10] =	vst v25  }
0x22e: {  	v29 =	vor.u32 v6, v12;
	v30 =	vld.idx.msk [tilespmem:v31+s2+$0x0], $0xffff;
	[tilespmem:s19+$0xE0] =	vst v22;
	v22 =	vmov s21  }
0x22f: {  	[tilespmem:s19+$0x50] =	vst v19;
	v31 =	vor.u32 v3, v13;
	v25 =	vld.idx.msk [tilespmem:v14+s2+$0x0], $0xffff;
	v14 =	vshll.u32 v22, $0x3  }
0x230: {  	v32 =	vor.u32 v3, v9;
	[tilespmem:s18+$0xFFFFFF10] =	vst v26;
	v19 =	vand.u32 $0x7D, v22;
	v14 =	vand.u32 $0x400, v14  }
0x231: {  	[tilespmem:s19+$0xFFFFFF50] =	vst v27;
	v24 =	vld.idx.msk [tilespmem:v28+s2+$0x0], $0xffff;
	v28 =	vor.u32 v3, v10;
	v14 =	vor.u32 v19, v14  }
0x232: {  	v21 =	vld.idx.msk [tilespmem:v21+s2+$0x0], $0xffff;
	[tilespmem:s18+$0xA0] =	vst v20;
	v20 =	vor.u32 v0, v14  }
0x233: {  	v27 =	vor.u32 v3, v8;
	v19 =	vld.idx.msk [tilespmem:v29+s2+$0x0], $0xffff  }
0x234: {  	v26 =	vor.u32 v7, v16;
	[tilespmem:s18+$0xFFFFFFA0] =	vst v23;
	v22 =	vld.idx.msk [tilespmem:v31+s2+$0x0], $0xffff  }
0x235: {  	s22 =	simm.s32 $0xB;
	v17 =	vor.u32 v7, v17;
	s21 =	simm.s32 $0xC;
	v23 =	vld.idx.msk [tilespmem:v32+s2+$0x0], $0xffff;
	[tilespmem:s18+$0x20] =	vst v30  }
.LBB2_8:
0x236: {  	p0 =	slt.u32 s21, $0xFC;
	s23 =	sadd.s32 $0x2, s20;
	v16 =	vmov s22;
	v28 =	vld.idx.msk [tilespmem:v28+s2+$0x0], $0xffff;
	v29 =	vor.u32 v4, v13;
	[tilespmem:s19+$0xF0] =	vst v25;
	s20 =	smov.u32 s21  }
0x237: {  	v20 =	vld.idx.msk [tilespmem:v20+s2+$0x0], $0xffff;
	v25 =	vmov s23;
	v30 =	vshll.u32 v16, $0x3;
	[tilespmem:s18+$0xFFFFFF20] =	vst v24;
	v24 =	vor.u32 v4, v9  }
0x238: {  	v31 =	vor.u32 v4, v10;
	v16 =	vand.u32 $0x7F, v16;
	v30 =	vand.u32 $0x400, v30;
	v27 =	vld.idx.msk [tilespmem:v27+s2+$0x0], $0xffff;
	[tilespmem:s19+$0xFFFFFFE0] =	vst v18  }
0x239: {  	v18 =	vshll.u32 v25, $0x3;
	v16 =	vor.u32 v16, v30;
	v30 =	vor.u32 v7, v12;
	v26 =	vld.idx.msk [tilespmem:v26+s2+$0x0], $0xffff;
	[tilespmem:s19+$0x60] =	vst v21  }
0x23a: {  	v21 =	vand.u32 $0x7E, v25;
	v18 =	vand.u32 $0x400, v18;
	v12 =	vmovc v8;
	v25 =	vor.u32 v0, v16;
	[tilespmem:s18+$0xB0] =	vst v22;
	v17 =	vld.idx.msk [tilespmem:v17+s2+$0x0], $0xffff  }
0x23b: {  	v8 =	vmov v11;
	v32 =	vor.u32 v21, v18;
	v18 =	vor.u32 v4, v12;
	[tilespmem:s18+$0xFFFFFFB0] =	vst v23;
	v21 =	vld.idx.msk [tilespmem:v29+s2+$0x0], $0xffff  }
0x23c: {  	v11 =	vmov s21;
	v22 =	vor.u32 v0, v32;
	v23 =	vld.idx.msk [tilespmem:v24+s2+$0x0], $0xffff;
	[tilespmem:s18+$0x30] =	vst v28  }
0x23d: {  	v29 =	vor.u32 v5, v13;
	v24 =	vshll.u32 v11, $0x3;
	v28 =	vld.idx.msk [tilespmem:v31+s2+$0x0], $0xffff;
	[tilespmem:s19+$0xFFFFFF60] =	vst v19  }
0x23e: {  	v11 =	vand.u32 $0x7C, v11;
	v19 =	vand.u32 $0x400, v24;
	v24 =	vor.u32 v5, v9;
	[tilespmem:s18+$0xFFFFFF30] =	vst v27;
	v27 =	vld.idx.msk [tilespmem:v30+s2+$0x0], $0xffff  }
0x23f: {  	v11 =	vor.u32 v11, v19;
	v19 =	vld.idx.msk [tilespmem:v25+s2+$0x0], $0xffff;
	v25 =	vor.u32 v5, v10;
	[tilespmem:s19+$0xFFFFFFF0] =	vst v26  }
0x240: {  	v26 =	vor.u32 v0, v11;
	v18 =	vld.idx.msk [tilespmem:v18+s2+$0x0], $0xffff;
	[tilespmem:s19+$0x70] =	vst v17  }
0x241: {  	v17 =	vld.idx.msk [tilespmem:v22+s2+$0x0], $0xffff;
	v22 =	vor.u32 v1, v16;
	[tilespmem:s18+$0xC0] =	vst v21  }
0x242: {  	v21 =	vor.u32 v1, v14;
	[tilespmem:s18+$0xFFFFFFC0] =	vst v23;
	v23 =	vld.idx.msk [tilespmem:v29+s2+$0x0], $0xffff  }
0x243: {  	v29 =	vor.u32 v1, v32;
	v24 =	vld.idx.msk [tilespmem:v24+s2+$0x0], $0xffff;
	[tilespmem:s18+$0x40] =	vst v28  }
0x244: {  	v30 =	vld.idx.msk [tilespmem:v25+s2+$0x0], $0xffff;
	v25 =	vor.u32 v6, v13;
	[tilespmem:s19+$0xFFFFFF70] =	vst v27;
	s19 =	smov.u32 s18;
	s18 =	sadd.s32 $0x200, s18  }
0x245: {  	v27 =	vor.u32 v1, v8;
	v26 =	vld.idx.msk [tilespmem:v26+s2+$0x0], $0xffff;
	[tilespmem:s18+$0x80] =	vst v19  }
0x246: {  	[tilespmem:s18+$0xFFFFFF80] =	vst v20;
	v19 =	vld.idx.msk [tilespmem:v22+s2+$0x0], $0xffff;
	v20 =	vor.u32 v5, v12  }
0x247: {  	v21 =	vld.idx.msk [tilespmem:v21+s2+$0x0], $0xffff;
	[tilespmem:s18+$0x0] =	vst v17;
	v17 =	vor.u32 v6, v9  }
0x248: {  	v28 =	vor.u32 v2, v16;
	v22 =	vld.idx.msk [tilespmem:v29+s2+$0x0], $0xffff;
	[tilespmem:s19+$0xD0] =	vst v23  }
0x249: {  	v23 =	vor.u32 v2, v14;
	[tilespmem:s18+$0xFFFFFF00] =	vst v15;
	v25 =	vld.idx.msk [tilespmem:v25+s2+$0x0], $0xffff  }
0x24a: {  	v29 =	vor.u32 v2, v32;
	v27 =	vld.idx.msk [tilespmem:v27+s2+$0x0], $0xffff;
	[tilespmem:s19+$0xFFFFFF40] =	vst v18  }
0x24b: {  	v15 =	vmov v26;
	v31 =	vld.idx.msk [tilespmem:v20+s2+$0x0], $0xffff;
	[tilespmem:s19+$0xFFFFFFD0] =	vst v24;
	v20 =	vor.u32 v7, v13;
	v13 =	vmov v16  }
0x24c: {  	v16 =	vor.u32 v2, v8;
	[tilespmem:s18+$0x90] =	vst v19;
	v18 =	vld.idx.msk [tilespmem:v17+s2+$0x0], $0xffff  }
0x24d: {  	s22 =	sadd.s32 $0x1, s21;
	v19 =	vor.u32 v6, v10;
	[tilespmem:s18+$0xFFFFFF90] =	vst v21;
	v17 =	vld.idx.msk [tilespmem:v28+s2+$0x0], $0xffff  }
0x24e: {  	v21 =	vmov s22;
	v23 =	vld.idx.msk [tilespmem:v23+s2+$0x0], $0xffff;
	[tilespmem:s18+$0x10] =	vst v22;
	v22 =	vor.u32 v6, v12  }
0x24f: {  	v26 =	vor.u32 v3, v13;
	v24 =	vshll.u32 v21, $0x3;
	v29 =	vld.idx.msk [tilespmem:v29+s2+$0x0], $0xffff;
	[tilespmem:s19+$0xE0] =	vst v25  }
0x250: {  	v33 =	vor.u32 v3, v14;
	v21 =	vand.u32 $0x7D, v21;
	v24 =	vand.u32 $0x400, v24;
	[tilespmem:s18+$0xFFFFFF10] =	vst v27;
	v25 =	vld.idx.msk [tilespmem:v20+s2+$0x0], $0xffff  }
.Ltmp3:
0x251: {  	v28 =	vor.u32 v3, v32;
	v34 =	vor.u32 v21, v24;
	v24 =	vld.idx.msk [tilespmem:v16+s2+$0x0], $0xffff;
	[tilespmem:s19+$0x50] =	vst v30;
	(pc) =	sbr.rel @p0 .LBB2_8-.Ltmp3, $4  }
0x252: {  	v20 =	vor.u32 v0, v34;
	[tilespmem:s19+$0xFFFFFF50] =	vst v31;
	v21 =	vld.idx.msk [tilespmem:v19+s2+$0x0], $0xffff  }
0x253: {  	v27 =	vor.u32 v3, v8;
	[tilespmem:s18+$0xA0] =	vst v17;
	v19 =	vld.idx.msk [tilespmem:v22+s2+$0x0], $0xffff  }
0x254: {  	[tilespmem:s18+$0xFFFFFFA0] =	vst v23;
	v22 =	vld.idx.msk [tilespmem:v26+s2+$0x0], $0xffff;
	v26 =	vor.u32 v7, v9;
	v9 =	vmov v14;
	v14 =	vmov v34  }
0x255: {  	s21 =	sadd.s32 $0x4, s21;
	s22 =	sadd.s32 $0x3, s20;
	v17 =	vor.u32 v7, v10;
	v10 =	vmov v32;
	v23 =	vld.idx.msk [tilespmem:v33+s2+$0x0], $0xffff;
	[tilespmem:s18+$0x20] =	vst v29  }
0x256: {  	_ =	sdelay $0x1  }
0x257: {  	[tilespmem:s19+$0xF0] =	vst v25  }
0x258: {  	[tilespmem:s18+$0xFFFFFF20] =	vst v24  }
0x259: {  	s20 =	sadd.s32 $0x2, s20;
	v16 =	vmov s22;
	v63 =	vld.idx.msk [tilespmem:v28+s2+$0x0], $0xffff;
	v33 =	vor.u32 v4, v13;
	v34 =	vor.u32 v4, v9;
	[tilespmem:s19+$0xFFFFFFE0] =	vst v18  }
0x25a: {  	v12 =	vor.u32 v7, v12;
	v20 =	vld.idx.msk [tilespmem:v20+s2+$0x0], $0xffff;
	s31 =	sadd.s32 $0x200, s18;
	v29 =	vmov s20;
	v30 =	vshll.u32 v16, $0x3;
	[tilespmem:s19+$0x60] =	vst v21  }
0x25b: {  	v16 =	vand.u32 $0x7F, v16;
	v35 =	vld.idx.msk [tilespmem:v27+s2+$0x0], $0xffff;
	[tilespmem:s31+$0xFFFFFF00] =	vst v15;
	v30 =	vand.u32 $0x400, v30;
	v31 =	vshll.u32 v29, $0x3  }
0x25c: {  	v37 =	vld.idx.msk [tilespmem:v26+s2+$0x0], $0xffff;
	v38 =	vand.u32 $0x7E, v29;
	[tilespmem:s19+$0xFFFFFF60] =	vst v19;
	v16 =	vor.u32 v16, v30;
	v39 =	vand.u32 $0x400, v31  }
0x25d: {  	v40 =	vld.idx.msk [tilespmem:v17+s2+$0x0], $0xffff;
	[tilespmem:s18+$0xB0] =	vst v22;
	v30 =	vor.u32 v0, v16;
	v17 =	vor.u32 v38, v39  }
0x25e: {  	[tilespmem:s18+$0xFFFFFFB0] =	vst v23;
	v26 =	vor.u32 v0, v17  }
0x25f: {  	v49 =	vor.u32 v1, v11;
	v41 =	vld.idx.msk [tilespmem:v33+s2+$0x0], $0xffff;
	[tilespmem:s18+$0x30] =	vst v63  }
0x260: {  	v36 =	vor.u32 v4, v10;
	v24 =	vld.idx.msk [tilespmem:v34+s2+$0x0], $0xffff;
	[tilespmem:s31+$0xFFFFFF80] =	vst v20  }
0x261: {  	v47 =	vor.u32 v1, v14;
	v12 =	vld.idx.msk [tilespmem:v12+s2+$0x0], $0xffff;
	[tilespmem:s18+$0xFFFFFF30] =	vst v35  }
0x262: {  	v43 =	vor.u32 v5, v13;
	[tilespmem:s19+$0xFFFFFFF0] =	vst v37;
	v44 =	vld.idx.msk [tilespmem:v30+s2+$0x0], $0xffff  }
0x263: {  	v45 =	vor.u32 v1, v16;
	[tilespmem:s19+$0x70] =	vst v40;
	v46 =	vld.idx.msk [tilespmem:v26+s2+$0x0], $0xffff  }
0x264: {  	v48 =	vor.u32 v1, v17;
	v57 =	vld.idx.msk [tilespmem:v49+s2+$0x0], $0xffff;
	[tilespmem:s18+$0xC0] =	vst v41  }
0x265: {  	v50 =	vor.u32 v4, v8;
	v42 =	vld.idx.msk [tilespmem:v36+s2+$0x0], $0xffff;
	[tilespmem:s18+$0xFFFFFFC0] =	vst v24  }
0x266: {  	v51 =	vor.u32 v5, v9;
	v53 =	vld.idx.msk [tilespmem:v47+s2+$0x0], $0xffff;
	[tilespmem:s19+$0xFFFFFF70] =	vst v12  }
0x267: {  	v56 =	vor.u32 v2, v14;
	v18 =	vld.idx.msk [tilespmem:v43+s2+$0x0], $0xffff;
	[tilespmem:s31+$0x80] =	vst v44  }
0x268: {  	v60 =	vor.u32 v2, v11;
	v52 =	vld.idx.msk [tilespmem:v45+s2+$0x0], $0xffff;
	[tilespmem:s31+$0x0] =	vst v46  }
0x269: {  	v54 =	vor.u32 v2, v16;
	[tilespmem:s31+$0xFFFFFF10] =	vst v57;
	v55 =	vld.idx.msk [tilespmem:v48+s2+$0x0], $0xffff  }
0x26a: {  	v58 =	vor.u32 v2, v17;
	v59 =	vld.idx.msk [tilespmem:v50+s2+$0x0], $0xffff;
	[tilespmem:s18+$0x40] =	vst v42  }
0x26b: {  	v62 =	vor.u32 v5, v10;
	v25 =	vld.idx.msk [tilespmem:v51+s2+$0x0], $0xffff;
	[tilespmem:s31+$0xFFFFFF90] =	vst v53  }
0x26c: {  	v61 =	vor.u32 v6, v13;
	v15 =	vld.idx.msk [tilespmem:v56+s2+$0x0], $0xffff;
	[tilespmem:s18+$0xD0] =	vst v18  }
0x26d: {  	v29 =	vor.u32 v3, v14;
	v18 =	vld.idx.msk [tilespmem:v60+s2+$0x0], $0xffff;
	[tilespmem:s31+$0x90] =	vst v52  }
0x26e: {  	v32 =	vor.u32 v3, v11;
	v63 =	vld.idx.msk [tilespmem:v54+s2+$0x0], $0xffff;
	[tilespmem:s31+$0x10] =	vst v55  }
0x26f: {  	v28 =	vor.u32 v3, v16;
	[tilespmem:s18+$0xFFFFFF40] =	vst v59;
	v19 =	vld.idx.msk [tilespmem:v58+s2+$0x0], $0xffff  }
0x270: {  	v30 =	vor.u32 v3, v17;
	v20 =	vld.idx.msk [tilespmem:v62+s2+$0x0], $0xffff;
	[tilespmem:s18+$0xFFFFFFD0] =	vst v25  }
0x271: {  	v33 =	vor.u32 v5, v8;
	v31 =	vld.idx.msk [tilespmem:v61+s2+$0x0], $0xffff;
	[tilespmem:s31+$0xFFFFFFA0] =	vst v15  }
0x272: {  	v34 =	vor.u32 v7, v13;
	v12 =	vld.idx.msk [tilespmem:v29+s2+$0x0], $0xffff;
	[tilespmem:s31+$0xFFFFFF20] =	vst v18  }
0x273: {  	v38 =	vor.u32 v4, v14;
	v39 =	vld.idx.msk [tilespmem:v32+s2+$0x0], $0xffff;
	[tilespmem:s31+$0xA0] =	vst v63  }
0x274: {  	v42 =	vor.u32 v4, v11;
	v35 =	vld.idx.msk [tilespmem:v28+s2+$0x0], $0xffff;
	[tilespmem:s31+$0x20] =	vst v19  }
0x275: {  	v36 =	vor.u32 v4, v16;
	[tilespmem:s18+$0x50] =	vst v20;
	v37 =	vld.idx.msk [tilespmem:v30+s2+$0x0], $0xffff  }
0x276: {  	v40 =	vor.u32 v4, v17;
	v41 =	vld.idx.msk [tilespmem:v33+s2+$0x0], $0xffff;
	[tilespmem:s18+$0xE0] =	vst v31  }
0x277: {  	v43 =	vor.u32 v6, v9;
	v13 =	vld.idx.msk [tilespmem:v34+s2+$0x0], $0xffff;
	[tilespmem:s31+$0xFFFFFFB0] =	vst v12  }
0x278: {  	v44 =	vor.u32 v6, v10;
	v18 =	vld.idx.msk [tilespmem:v38+s2+$0x0], $0xffff;
	[tilespmem:s31+$0xFFFFFF30] =	vst v39  }
0x279: {  	v47 =	vor.u32 v5, v14;
	v20 =	vld.idx.msk [tilespmem:v42+s2+$0x0], $0xffff;
	[tilespmem:s31+$0xB0] =	vst v35  }
0x27a: {  	v50 =	vor.u32 v5, v11;
	v45 =	vld.idx.msk [tilespmem:v36+s2+$0x0], $0xffff;
	[tilespmem:s31+$0x30] =	vst v37  }
0x27b: {  	v46 =	vor.u32 v5, v16;
	[tilespmem:s18+$0xFFFFFF50] =	vst v41;
	v21 =	vld.idx.msk [tilespmem:v40+s2+$0x0], $0xffff  }
0x27c: {  	v48 =	vor.u32 v5, v17;
	v49 =	vld.idx.msk [tilespmem:v43+s2+$0x0], $0xffff;
	[tilespmem:s18+$0xF0] =	vst v13  }
0x27d: {  	v51 =	vor.u32 v6, v8;
	v15 =	vld.idx.msk [tilespmem:v44+s2+$0x0], $0xffff;
	[tilespmem:s31+$0xFFFFFFC0] =	vst v18  }
0x27e: {  	v52 =	vor.u32 v7, v9;
	v18 =	vld.idx.msk [tilespmem:v47+s2+$0x0], $0xffff;
	[tilespmem:s31+$0xFFFFFF40] =	vst v20  }
0x27f: {  	v54 =	vor.u32 v6, v14;
	v13 =	vld.idx.msk [tilespmem:v50+s2+$0x0], $0xffff;
	[tilespmem:s31+$0xC0] =	vst v45  }
0x280: {  	v57 =	vor.u32 v6, v11;
	v12 =	vld.idx.msk [tilespmem:v46+s2+$0x0], $0xffff;
	[tilespmem:s31+$0x40] =	vst v21  }
0x281: {  	v53 =	vor.u32 v6, v16;
	[tilespmem:s18+$0xFFFFFFE0] =	vst v49;
	v21 =	vld.idx.msk [tilespmem:v48+s2+$0x0], $0xffff  }
0x282: {  	v56 =	vld.idx.msk [tilespmem:v51+s2+$0x0], $0xffff;
	v55 =	vor.u32 v6, v17;
	[tilespmem:s18+$0x60] =	vst v15  }
0x283: {  	v8 =	vor.u32 v7, v8;
	v9 =	vld.idx.msk [tilespmem:v52+s2+$0x0], $0xffff;
	[tilespmem:s31+$0xFFFFFFD0] =	vst v18  }
0x284: {  	v58 =	vor.u32 v7, v10;
	v18 =	vld.idx.msk [tilespmem:v54+s2+$0x0], $0xffff;
	[tilespmem:s31+$0xFFFFFF50] =	vst v13  }
0x285: {  	v60 =	vor.u32 v7, v14;
	v15 =	vld.idx.msk [tilespmem:v57+s2+$0x0], $0xffff;
	[tilespmem:s31+$0xD0] =	vst v12  }
0x286: {  	v61 =	vor.u32 v7, v11;
	v12 =	vld.idx.msk [tilespmem:v53+s2+$0x0], $0xffff;
	[tilespmem:s31+$0x50] =	vst v21  }
0x287: {  	v16 =	vor.u32 v7, v16;
	[tilespmem:s18+$0xFFFFFF60] =	vst v56;
	v59 =	vld.idx.msk [tilespmem:v55+s2+$0x0], $0xffff  }
0x288: {  	v17 =	vor.u32 v7, v17;
	v8 =	vld.idx.msk [tilespmem:v8+s2+$0x0], $0xffff;
	[tilespmem:s18+$0xFFFFFFF0] =	vst v9  }
0x289: {  	v10 =	vld.idx.msk [tilespmem:v58+s2+$0x0], $0xffff;
	[tilespmem:s31+$0xFFFFFFE0] =	vst v18  }
0x28a: {  	v63 =	vld.idx.msk [tilespmem:v60+s2+$0x0], $0xffff;
	[tilespmem:s31+$0xFFFFFF60] =	vst v15  }
0x28b: {  	v9 =	vld.idx.msk [tilespmem:v61+s2+$0x0], $0xffff;
	[tilespmem:s31+$0xE0] =	vst v12  }
0x28c: {  	v62 =	vld.idx.msk [tilespmem:v16+s2+$0x0], $0xffff;
	[tilespmem:s31+$0x60] =	vst v59  }
0x28d: {  	[tilespmem:s18+$0xFFFFFF70] =	vst v8;
	v13 =	vld.idx.msk [tilespmem:v17+s2+$0x0], $0xffff  }
0x28e: {  	[tilespmem:s18+$0x70] =	vst v10  }
0x28f: {  	[tilespmem:s31+$0xFFFFFFF0] =	vst v63  }
0x290: {  	s17 =	sadd.s32 $0x1, s17;
	[tilespmem:s31+$0xFFFFFF70] =	vst v9  }
0x291: {  	p0 =	sne.s32 s17, s11;
	[tilespmem:s31+$0xF0] =	vst v62  }
.Ltmp4:
0x292: {  	[tilespmem:s31+$0x70] =	vst v13;
	(pc) =	sbr.rel @p0 .LBB2_1-.Ltmp4, $4  }
0x293: {  	[hbm4b:s10+s15] =	stream.strided.scatter [tilespmem:s16], [sflag:$0x1], $0x8000, s16, s15, $0x38;
	[tilespmem:$0x10000] =	vst v63  }
0x294: {  	_ =	swait.ge [sflag:s14], $0x8000  }
0x295: {  	[sflag:s14] =	ssyncset.done $0x0  }
0x296: {  	[sflag:s14] =	ssyncadd.s32 $0xFFFF8000  }
0x297: {  	_ =	sfence.sel $0x180000  }
0x298: {  	[bflag:$0x0] =	sbarrier.arrive $0xFFFF  }
0x299: {  	p0 =	sne.s32 s0, $0x0;
	_ =	strace $0x90000047  }
0x29a: {  	s0 =	sadd.s32 @!p0 $0x100000, s1;
	[bflag:$0x2] =	sbarrier.arrive $0xFFFF  }
0x29b: {  	[sflag:s0] =	ssyncadd.tile.s32 @!p0 $0x1;
	_ =	shalt  }
.Lfunc_end2:
_tile_overlayer_lowered:
.L_overlay_start_2:
0x29c: {  	(tag) =	ssettag $0x2  }
0x29d: {  	s0 =	rddreg [dreg:$0x0];
	s2 =	stileid.u32  }
0x29e: {  	s1 =	rddreg [dreg:$0x1];
	p0 =	sne.s32 s2, $0x0  }
0x29f: {  	s3 =	rddreg [dreg:$0x2];
	[bflag:$0x3] =	sbarrier.arrive $0xFFFF;
	s2 =	simm.s32 @!p0 $0x1C01  }
0x2a0: {  	[timem:s3], [sflag:s2] =	dma.local @!p0 [hbm:s0], s1  }
0x2a1: {  	s0 =	simm.s32 @!p0 $0x1  }
0x2a2: {  	_ =	swait.ge @!p0 [sflag:s0], s1  }
0x2a3: {  	s1 =	ssub.s32 @!p0 $0x0, s1;
	[sflag:s0] =	ssyncset.done @!p0 $0x0  }
0x2a4: {  	[sflag:s0] =	ssyncadd.s32 @!p0 s1  }
0x2a5: {  	[bflag:$0x3] =	sbarrier.arrive $0xFFFF  }
0x2a6: {  	_ =	shalt  }

</sc_bundles>
